<compile_context>
chip_gen: v7x
topology: tpu7x:2x2x1
jax: 0.10.2.dev20260603
libtpu: 0.0.44.dev20260713+nightly
codegen_flags: <defaults>
</compile_context>

<pallas_src>
import functools

import jax
import jax.numpy as jnp
from jax import lax
from jax.experimental import pallas as pl
from jax.experimental.pallas import tpu as pltpu
from jax.experimental.pallas import tpu_sc as plsc

L = 16
N = 64
NV = N // L
NC = 2
NS = 16
NW = NC * NS
GPW = 256 // NW


def _rsqrt_nr(d2, iters):
    i = lax.bitcast_convert_type(d2, jnp.int32)
    i = jnp.int32(0x5F3759DF) - lax.shift_right_logical(i, 1)
    y = lax.bitcast_convert_type(i, jnp.float32)
    hd2 = jnp.float32(0.5) * d2
    for _ in range(iters):
        e = hd2 * y
        y = y * (jnp.float32(1.5) - e * y)
    return y


def _bcast(vecs, i, zero):
    k, l = divmod(i, L)
    idx = zero + jnp.int32(l)
    return jnp.take_along_axis(vecs[k], idx, axis=0, mode="promise_in_bounds")


def _sc_body(x_hbm, wg_hbm, wr_hbm, b_hbm, out_hbm,
             x_v, wg_v, wr_v, b_v, o_v, sem):
    cid = lax.axis_index("c")
    sid = lax.axis_index("s")
    wid = sid * NC + cid
    base = wid * GPW
    b_idx = lax.shift_right_logical(wid, 2)
    t0 = lax.shift_left(lax.bitwise_and(wid, 3), 3)

    lanes = lax.iota(jnp.int32, L)
    zero = lanes - lanes
    one = zero + jnp.int32(1)

    xoff = pl.multiple_of(lax.shift_left(b_idx, 14), N * 32 * 2)
    cp_x = pltpu.make_async_copy(x_hbm.at[pl.ds(xoff, N * 32 * 2)], x_v, sem)
    cp_x.start()
    pltpu.sync_copy(wg_hbm, wg_v)
    pltpu.sync_copy(wr_hbm, wr_v)
    pltpu.sync_copy(b_hbm, b_v)
    cp_x.wait()

    lanes64 = lax.shift_left(lanes, 6)
    lanes2 = lax.shift_left(lanes, 1)

    def group_body(g, carry):
        toff = lax.shift_left(t0 + g, 1)
        x0 = []
        x1 = []
        for k in range(NV):
            i0 = lanes64 + (toff + jnp.int32(k * L * 64))
            x0.append(plsc.load_gather(x_v, [i0]))
            x1.append(plsc.load_gather(x_v, [i0 + one]))

        def wrow_from(xi0, xi1):
            ws = []
            for k in range(NV):
                dx0 = x0[k] - xi0
                dx1 = x1[k] - xi1
                d2 = dx0 * dx0 + dx1 * dx1
                ws.append(jnp.minimum(_rsqrt_nr(d2, 1), jnp.float32(1.0)))
            return ws

        w0 = wrow_from(_bcast(x0, 0, zero), _bcast(x1, 0, zero))

        def row_body(i, deg):
            kb = lax.shift_right_logical(i, 4) + zero
            idx = lax.bitwise_and(i, 15) + zero
            xi0 = jnp.take_along_axis(
                jnp.where(kb < 2,
                          jnp.where(kb < 1, x0[0], x0[1]),
                          jnp.where(kb < 3, x0[2], x0[3])),
                idx, axis=0, mode="promise_in_bounds")
            xi1 = jnp.take_along_axis(
                jnp.where(kb < 2,
                          jnp.where(kb < 1, x1[0], x1[1]),
                          jnp.where(kb < 3, x1[2], x1[3])),
                idx, axis=0, mode="promise_in_bounds")
            wi = wrow_from(xi0, xi1)
            return tuple(a + b for a, b in zip(deg, wi))

        fzero = lax.convert_element_type(zero, jnp.float32)
        deg = list(lax.fori_loop(0, N, row_body, (fzero,) * NV, unroll=4))

        dis = [_rsqrt_nr(d, 2) for d in deg]
        cw = [w0[k] * dis[k] for k in range(NV)]
        s0p = cw[0] * x0[0] + cw[1] * x0[1] + cw[2] * x0[2] + cw[3] * x0[3]
        s1p = cw[0] * x1[0] + cw[1] * x1[1] + cw[2] * x1[2] + cw[3] * x1[3]
        s0 = s0p
        s1 = s1p
        for sh in (8, 4, 2, 1):
            idx = lax.bitwise_xor(lanes, jnp.int32(sh))
            s0 = s0 + jnp.take_along_axis(s0, idx, axis=0,
                                          mode="promise_in_bounds")
            s1 = s1 + jnp.take_along_axis(s1, idx, axis=0,
                                          mode="promise_in_bounds")
        dis0 = _bcast(dis, 0, zero)
        x00 = _bcast(x0, 0, zero)
        x01 = _bcast(x1, 0, zero)

        for k in range(NV):
            jk = lanes2 + jnp.int32(k * L * 2)
            wg0 = plsc.load_gather(wg_v, [jk])
            wg1 = plsc.load_gather(wg_v, [jk + one])
            wr0 = plsc.load_gather(wr_v, [jk])
            wr1 = plsc.load_gather(wr_v, [jk + one])
            bb = b_v[pl.ds(k * L, L)]
            o = dis0 * (s0 * wg0 + s1 * wg1) + bb + x00 * wr0 + x01 * wr1
            o_v[g, pl.ds(k * L, L)] = jnp.maximum(o, jnp.float32(0.0))
        return carry

    lax.fori_loop(0, GPW, group_body, 0)
    pltpu.sync_copy(o_v, out_hbm.at[pl.ds(base, GPW)])


@jax.jit
def _encode(x, W_gcn, W_res, b_gcn):
    G = 256
    mesh = plsc.VectorSubcoreMesh(core_axis_name="c", subcore_axis_name="s")
    fn = pl.kernel(
        _sc_body,
        out_type=jax.ShapeDtypeStruct((G, N), jnp.float32),
        mesh=mesh,
        scratch_types=[
            pltpu.VMEM((N * 32 * 2,), jnp.float32),
            pltpu.VMEM((N * 2,), jnp.float32),
            pltpu.VMEM((N * 2,), jnp.float32),
            pltpu.VMEM((N,), jnp.float32),
            pltpu.VMEM((GPW, N), jnp.float32),
            pltpu.SemaphoreType.DMA,
        ],
        compiler_params=pltpu.CompilerParams(needs_layout_passes=False),
    )
    return fn(x, W_gcn, W_res, b_gcn)


def kernel(x, W_res, W_gcn, b_gcn):
    B, n, T, F = x.shape
    emb = W_gcn.shape[0]
    enc0 = _encode(
        x.astype(jnp.float32).reshape(B * n * T * F),
        W_gcn.astype(jnp.float32).reshape(emb * F),
        W_res.astype(jnp.float32).reshape(emb * F),
        b_gcn.astype(jnp.float32),
    )
    enc_sp = enc0.reshape(B, T, emb)
    inputs = x[:, 0, :, :]
    return (inputs, enc_sp)

# --- scband reference (transcript-rebuilt; emitter-appended) ---
"""Pipeline reference for scband-encoder-spatial-75814762709662 (READ-ONLY COPY).

The authoritative reference and input builder live on the scoring server;
editing this copy changes nothing except your own understanding.
"""

import jax, jax.numpy as jnp
import numpy as np


def _build_edge_index(B, N, T):
    # dense clique per (sample, timestep), self-loops removed, node offset per timestep
    ei = np.arange(N).repeat(N)
    ej = np.tile(np.arange(N), N)
    mask = ei != ej
    base = np.stack((ei[mask], ej[mask]))
    blocks = []
    offset = 0
    for _b in range(B):
        for _t in range(T):
            blocks.append(base + offset)
            offset += N
    return np.concatenate(blocks, axis=1).astype(np.int64)


def setup_inputs(seed: int = 0) -> dict:
    key = jax.random.key(seed)
    k1, k2, k3 = jax.random.split(key, 3)
    B, N, T, F = 8, 64, 32, 2
    emb = 64
    x = jax.random.normal(k1, (B, N, T, F), dtype=jnp.float32)
    # residual Linear(F, emb, bias=False): weight [emb, F]
    W_res = jax.random.normal(k2, (emb, F), dtype=jnp.float32) * (1.0 / np.sqrt(F))
    # GCNConv linear weight [emb, F] and bias [emb]
    W_gcn = jax.random.normal(k3, (emb, F), dtype=jnp.float32) * (1.0 / np.sqrt(F))
    b_gcn = jnp.zeros((emb,), dtype=jnp.float32)
    return {"x": x, "W_res": W_res, "W_gcn": W_gcn, "b_gcn": b_gcn}


def reference(x, W_res, W_gcn, b_gcn):
    B, N, T, F = x.shape
    emb = W_gcn.shape[0]
    M = B * T * N
    # preprocess: per-sample swapaxes(0,1) -> [T,N,F], reshape (-1,F), concat
    graph_input = jnp.transpose(x, (0, 2, 1, 3)).reshape(M, F)
    edge_index = jnp.asarray(_build_edge_index(B, N, T))
    row, col = edge_index[0], edge_index[1]
    # distance edge weights: w = min(1/||vi - vj||, 1)
    vi = jnp.take(graph_input, row, axis=0)
    vj = jnp.take(graph_input, col, axis=0)
    dist = jnp.linalg.norm(vi - vj, axis=1)
    dist = jnp.where(dist == 0.0, 1e-6, dist)
    w = jnp.minimum(1.0 / dist, 1.0)
    # GCNConv with add_self_loops=True: gcn_norm (symmetric normalization)
    sl = jnp.arange(M, dtype=row.dtype)
    row_sl = jnp.concatenate([row, sl])
    col_sl = jnp.concatenate([col, sl])
    w_sl = jnp.concatenate([w, jnp.ones((M,), dtype=w.dtype)])
    deg = jax.ops.segment_sum(w_sl, col_sl, num_segments=M)
    deg_safe = jnp.where(deg > 0.0, deg, 1.0)
    dis = jnp.where(deg > 0.0, 1.0 / jnp.sqrt(deg_safe), 0.0)
    norm = jnp.take(dis, row_sl) * w_sl * jnp.take(dis, col_sl)
    xt = graph_input @ W_gcn.T
    msgs = norm[:, None] * jnp.take(xt, row_sl, axis=0)
    out = jnp.zeros((M, emb), dtype=xt.dtype).at[col_sl].add(msgs) + b_gcn
    # residual + relu
    res = graph_input @ W_res.T
    enc = jax.nn.relu(out + res)
    # postprocess: reshape per sample (T, N, emb), swap -> (N, T, emb), take agent 0
    enc_sp = enc.reshape(B, T, N, emb)[:, :, 0, :]
    # inputs: xi[0] per sample -> [B, T, F]
    inputs = x[:, 0, :, :]
    return (inputs, enc_sp)

if __name__ == "__main__":
    import jax
    _d = setup_inputs()
    print(jax.jit(kernel)(*tuple(_d.values())))

</pallas_src>

<mosaic_0001>
#map = affine_map<(d0, d1) -> (0)>
#map1 = affine_map<(d0, d1) -> (0, 0)>
module attributes {stable_mosaic.version = 14 : i64} {
  func.func @_sc_body(%arg0: i32, %arg1: i32, %arg2: memref<32768xf32, #tpu.memory_space<hbm>>, %arg3: memref<128xf32, #tpu.memory_space<hbm>>, %arg4: memref<128xf32, #tpu.memory_space<hbm>>, %arg5: memref<64xf32, #tpu.memory_space<hbm>>, %arg6: memref<256x64xf32, #tpu.memory_space<hbm>>, %arg7: memref<4096xf32, #tpu.memory_space<vmem>>, %arg8: memref<128xf32, #tpu.memory_space<vmem>>, %arg9: memref<128xf32, #tpu.memory_space<vmem>>, %arg10: memref<64xf32, #tpu.memory_space<vmem>>, %arg11: memref<8x64xf32, #tpu.memory_space<vmem>>, %arg12: memref<!tpu.dma_semaphore, #tpu.memory_space<semaphore_mem>>) attributes {dimension_semantics = [#tpu.dimension_semantics<core_parallel>, #tpu.dimension_semantics<subcore_parallel>], iteration_bounds = array<i64: 2, 16>, scalar_prefetch = 0 : i64, scratch_operands = 6 : i64, tpu.core_type = #tpu.core_type<sc_vector_subcore>, window_params = [{transform_indices = #map}, {transform_indices = #map}, {transform_indices = #map}, {transform_indices = #map}, {transform_indices = #map1}]} {
    %mul3A = arith.constant 2 : i32
    %mul3A_0 = arith.muli %arg1, %mul3A : i32
    %add3A = arith.addi %mul3A_0, %arg0 : i32
    %mul3A_1 = arith.constant 8 : i32
    %mul3A_2 = arith.muli %add3A, %mul3A_1 : i32
    %shift_right_logical3A = arith.constant 2 : i32
    %shift_right_logical3A_3 = arith.shrui %add3A, %shift_right_logical3A : i32
    %and3A = arith.constant 3 : i32
    %and3A_4 = arith.andi %add3A, %and3A : i32
    %shift_left3A = arith.constant 3 : i32
    %shift_left3A_5 = arith.shli %and3A_4, %shift_left3A : i32
    %iota3A = tpu.iota {dimensions = array<i32: 0>} : vector<16xi32>
    %sub3A = arith.subi %iota3A, %iota3A : vector<16xi32>
    %add3A_6 = arith.constant 1 : i32
    %add3A_7 = vector.broadcast %add3A_6 : i32 to vector<16xi32>
    %add3A_8 = arith.addi %sub3A, %add3A_7 : vector<16xi32>
    %shift_left3A_9 = arith.constant 14 : i32
    %shift_left3A_10 = arith.shli %shift_right_logical3A_3, %shift_left3A_9 : i32
    %multiple_of3A = tpu.assume_multiple %shift_left3A_10, 4096 : i32
    %dma_start3A = tpu.memref_slice %arg2[%multiple_of3A] : memref<32768xf32, #tpu.memory_space<hbm>> -> memref<4096xf32, #tpu.memory_space<hbm>>
    %dma_start3A_11 = tpu.memref_slice %arg2[%multiple_of3A] : memref<32768xf32, #tpu.memory_space<hbm>> -> memref<4096xf32, #tpu.memory_space<hbm>>
    tpu.enqueue_dma source(%dma_start3A_11 : memref<4096xf32, #tpu.memory_space<hbm>>) target(%arg7 : memref<4096xf32, #tpu.memory_space<vmem>>) target_semaphore(%arg12 : memref<!tpu.dma_semaphore, #tpu.memory_space<semaphore_mem>>)
    "tpu.region"() ({
      %run_scoped3A = tpu.sem_alloc : memref<!tpu.dma_semaphore, #tpu.memory_space<semaphore_mem>>
      tpu.enqueue_dma source(%arg3 : memref<128xf32, #tpu.memory_space<hbm>>) target(%arg8 : memref<128xf32, #tpu.memory_space<vmem>>) target_semaphore(%run_scoped3A : memref<!tpu.dma_semaphore, #tpu.memory_space<semaphore_mem>>)
      tpu.wait_dma2 semaphore(%run_scoped3A : memref<!tpu.dma_semaphore, #tpu.memory_space<semaphore_mem>>) src(%arg3 : memref<128xf32, #tpu.memory_space<hbm>>) dst(%arg8 : memref<128xf32, #tpu.memory_space<vmem>>)
      tpu.yield
    }) : () -> ()
    "tpu.region"() ({
      %run_scoped3A = tpu.sem_alloc : memref<!tpu.dma_semaphore, #tpu.memory_space<semaphore_mem>>
      tpu.enqueue_dma source(%arg4 : memref<128xf32, #tpu.memory_space<hbm>>) target(%arg9 : memref<128xf32, #tpu.memory_space<vmem>>) target_semaphore(%run_scoped3A : memref<!tpu.dma_semaphore, #tpu.memory_space<semaphore_mem>>)
      tpu.wait_dma2 semaphore(%run_scoped3A : memref<!tpu.dma_semaphore, #tpu.memory_space<semaphore_mem>>) src(%arg4 : memref<128xf32, #tpu.memory_space<hbm>>) dst(%arg9 : memref<128xf32, #tpu.memory_space<vmem>>)
      tpu.yield
    }) : () -> ()
    "tpu.region"() ({
      %run_scoped3A = tpu.sem_alloc : memref<!tpu.dma_semaphore, #tpu.memory_space<semaphore_mem>>
      tpu.enqueue_dma source(%arg5 : memref<64xf32, #tpu.memory_space<hbm>>) target(%arg10 : memref<64xf32, #tpu.memory_space<vmem>>) target_semaphore(%run_scoped3A : memref<!tpu.dma_semaphore, #tpu.memory_space<semaphore_mem>>)
      tpu.wait_dma2 semaphore(%run_scoped3A : memref<!tpu.dma_semaphore, #tpu.memory_space<semaphore_mem>>) src(%arg5 : memref<64xf32, #tpu.memory_space<hbm>>) dst(%arg10 : memref<64xf32, #tpu.memory_space<vmem>>)
      tpu.yield
    }) : () -> ()
    %dma_wait3A = tpu.memref_slice %arg2[%multiple_of3A] : memref<32768xf32, #tpu.memory_space<hbm>> -> memref<4096xf32, #tpu.memory_space<hbm>>
    %dma_wait3A_12 = tpu.memref_slice %arg2[%multiple_of3A] : memref<32768xf32, #tpu.memory_space<hbm>> -> memref<4096xf32, #tpu.memory_space<hbm>>
    tpu.wait_dma2 semaphore(%arg12 : memref<!tpu.dma_semaphore, #tpu.memory_space<semaphore_mem>>) src(%dma_wait3A_12 : memref<4096xf32, #tpu.memory_space<hbm>>) dst(%arg7 : memref<4096xf32, #tpu.memory_space<vmem>>)
    %shift_left3A_13 = arith.constant 6 : i32
    %shift_left3A_14 = vector.broadcast %shift_left3A_13 : i32 to vector<16xi32>
    %shift_left3A_15 = arith.shli %iota3A, %shift_left3A_14 : vector<16xi32>
    %shift_left3A_16 = arith.constant 1 : i32
    %shift_left3A_17 = vector.broadcast %shift_left3A_16 : i32 to vector<16xi32>
    %shift_left3A_18 = arith.shli %iota3A, %shift_left3A_17 : vector<16xi32>
    %scan3A = arith.constant 0 : i32
    %scan3A_19 = arith.constant 0 : i32
    %scan3A_20 = arith.constant 8 : i32
    %scan3A_21 = arith.addi %scan3A_19, %scan3A_20 : i32
    %scan3A_22 = arith.constant 1 : i32
    scf.for %scan3A_24 = %scan3A_19 to %scan3A_21 step %scan3A_22  : i32 {
      %add3A_25 = arith.addi %shift_left3A_5, %scan3A_24 : i32
      %shift_left3A_26 = arith.constant 1 : i32
      %shift_left3A_27 = arith.shli %add3A_25, %shift_left3A_26 : i32
      %add3A_28 = arith.constant 0 : i32
      %add3A_29 = arith.addi %shift_left3A_27, %add3A_28 : i32
      %add3A_30 = vector.broadcast %add3A_29 : i32 to vector<16xi32>
      %add3A_31 = arith.addi %shift_left3A_15, %add3A_30 : vector<16xi32>
      %gather3A = tpu.vector_load_idx %arg7[%add3A_31] : memref<4096xf32, #tpu.memory_space<vmem>>[vector<16xi32>], vector<16xf32>,
      %add3A_32 = arith.addi %add3A_31, %add3A_8 : vector<16xi32>
      %gather3A_33 = tpu.vector_load_idx %arg7[%add3A_32] : memref<4096xf32, #tpu.memory_space<vmem>>[vector<16xi32>], vector<16xf32>,
      %add3A_34 = arith.constant 1024 : i32
      %add3A_35 = arith.addi %shift_left3A_27, %add3A_34 : i32
      %add3A_36 = vector.broadcast %add3A_35 : i32 to vector<16xi32>
      %add3A_37 = arith.addi %shift_left3A_15, %add3A_36 : vector<16xi32>
      %gather3A_38 = tpu.vector_load_idx %arg7[%add3A_37] : memref<4096xf32, #tpu.memory_space<vmem>>[vector<16xi32>], vector<16xf32>,
      %add3A_39 = arith.addi %add3A_37, %add3A_8 : vector<16xi32>
      %gather3A_40 = tpu.vector_load_idx %arg7[%add3A_39] : memref<4096xf32, #tpu.memory_space<vmem>>[vector<16xi32>], vector<16xf32>,
      %add3A_41 = arith.constant 2048 : i32
      %add3A_42 = arith.addi %shift_left3A_27, %add3A_41 : i32
      %add3A_43 = vector.broadcast %add3A_42 : i32 to vector<16xi32>
      %add3A_44 = arith.addi %shift_left3A_15, %add3A_43 : vector<16xi32>
      %gather3A_45 = tpu.vector_load_idx %arg7[%add3A_44] : memref<4096xf32, #tpu.memory_space<vmem>>[vector<16xi32>], vector<16xf32>,
      %add3A_46 = arith.addi %add3A_44, %add3A_8 : vector<16xi32>
      %gather3A_47 = tpu.vector_load_idx %arg7[%add3A_46] : memref<4096xf32, #tpu.memory_space<vmem>>[vector<16xi32>], vector<16xf32>,
      %add3A_48 = arith.constant 3072 : i32
      %add3A_49 = arith.addi %shift_left3A_27, %add3A_48 : i32
      %add3A_50 = vector.broadcast %add3A_49 : i32 to vector<16xi32>
      %add3A_51 = arith.addi %shift_left3A_15, %add3A_50 : vector<16xi32>
      %gather3A_52 = tpu.vector_load_idx %arg7[%add3A_51] : memref<4096xf32, #tpu.memory_space<vmem>>[vector<16xi32>], vector<16xf32>,
      %add3A_53 = arith.addi %add3A_51, %add3A_8 : vector<16xi32>
      %gather3A_54 = tpu.vector_load_idx %arg7[%add3A_53] : memref<4096xf32, #tpu.memory_space<vmem>>[vector<16xi32>], vector<16xf32>,
      %add3A_55 = arith.constant 0 : i32
      %add3A_56 = vector.broadcast %add3A_55 : i32 to vector<16xi32>
      %add3A_57 = arith.addi %sub3A, %add3A_56 : vector<16xi32>
      %reshape3A = vector.shape_cast %add3A_57 : vector<16xi32> to vector<16x1xi32>
      %gather3A_58 = vector.shape_cast %reshape3A : vector<16x1xi32> to vector<16xi32>
      %gather3A_59 = tpu.dynamic_gather %gather3A[%gather3A_58] in [0] : vector<16xf32>, vector<16xi32> -> vector<16xf32>
      %add3A_60 = arith.constant 0 : i32
      %add3A_61 = vector.broadcast %add3A_60 : i32 to vector<16xi32>
      %add3A_62 = arith.addi %sub3A, %add3A_61 : vector<16xi32>
      %reshape3A_63 = vector.shape_cast %add3A_62 : vector<16xi32> to vector<16x1xi32>
      %gather3A_64 = vector.shape_cast %reshape3A_63 : vector<16x1xi32> to vector<16xi32>
      %gather3A_65 = tpu.dynamic_gather %gather3A_33[%gather3A_64] in [0] : vector<16xf32>, vector<16xi32> -> vector<16xf32>
      %sub3A_66 = arith.subf %gather3A, %gather3A_59 : vector<16xf32>
      %sub3A_67 = arith.subf %gather3A_33, %gather3A_65 : vector<16xf32>
      %mul3A_68 = arith.mulf %sub3A_66, %sub3A_66 : vector<16xf32>
      %mul3A_69 = arith.mulf %sub3A_67, %sub3A_67 : vector<16xf32>
      %add3A_70 = arith.addf %mul3A_68, %mul3A_69 : vector<16xf32>
      %bitcast_convert_type3A = tpu.bitcast %add3A_70 : vector<16xf32> -> vector<16xi32>
      %shift_right_logical3A_71 = arith.constant 1 : i32
      %shift_right_logical3A_72 = vector.broadcast %shift_right_logical3A_71 : i32 to vector<16xi32>
      %shift_right_logical3A_73 = arith.shrui %bitcast_convert_type3A, %shift_right_logical3A_72 : vector<16xi32>
      %sub3A_74 = arith.constant 1597463007 : i32
      %sub3A_75 = vector.broadcast %sub3A_74 : i32 to vector<16xi32>
      %sub3A_76 = arith.subi %sub3A_75, %shift_right_logical3A_73 : vector<16xi32>
      %bitcast_convert_type3A_77 = tpu.bitcast %sub3A_76 : vector<16xi32> -> vector<16xf32>
      %mul3A_78 = arith.constant 5.000000e-01 : f32
      %mul3A_79 = vector.broadcast %mul3A_78 : f32 to vector<16xf32>
      %mul3A_80 = arith.mulf %mul3A_79, %add3A_70 : vector<16xf32>
      %mul3A_81 = arith.mulf %mul3A_80, %bitcast_convert_type3A_77 : vector<16xf32>
      %mul3A_82 = arith.mulf %mul3A_81, %bitcast_convert_type3A_77 : vector<16xf32>
      %sub3A_83 = arith.constant 1.500000e+00 : f32
      %sub3A_84 = vector.broadcast %sub3A_83 : f32 to vector<16xf32>
      %sub3A_85 = arith.subf %sub3A_84, %mul3A_82 : vector<16xf32>
      %mul3A_86 = arith.mulf %bitcast_convert_type3A_77, %sub3A_85 : vector<16xf32>
      %min3A = arith.constant 1.000000e+00 : f32
      %min3A_87 = vector.broadcast %min3A : f32 to vector<16xf32>
      %min3A_88 = arith.minimumf %mul3A_86, %min3A_87 : vector<16xf32>
      %sub3A_89 = arith.subf %gather3A_38, %gather3A_59 : vector<16xf32>
      %sub3A_90 = arith.subf %gather3A_40, %gather3A_65 : vector<16xf32>
      %mul3A_91 = arith.mulf %sub3A_89, %sub3A_89 : vector<16xf32>
      %mul3A_92 = arith.mulf %sub3A_90, %sub3A_90 : vector<16xf32>
      %add3A_93 = arith.addf %mul3A_91, %mul3A_92 : vector<16xf32>
      %bitcast_convert_type3A_94 = tpu.bitcast %add3A_93 : vector<16xf32> -> vector<16xi32>
      %shift_right_logical3A_95 = arith.constant 1 : i32
      %shift_right_logical3A_96 = vector.broadcast %shift_right_logical3A_95 : i32 to vector<16xi32>
      %shift_right_logical3A_97 = arith.shrui %bitcast_convert_type3A_94, %shift_right_logical3A_96 : vector<16xi32>
      %sub3A_98 = arith.constant 1597463007 : i32
      %sub3A_99 = vector.broadcast %sub3A_98 : i32 to vector<16xi32>
      %sub3A_100 = arith.subi %sub3A_99, %shift_right_logical3A_97 : vector<16xi32>
      %bitcast_convert_type3A_101 = tpu.bitcast %sub3A_100 : vector<16xi32> -> vector<16xf32>
      %mul3A_102 = arith.constant 5.000000e-01 : f32
      %mul3A_103 = vector.broadcast %mul3A_102 : f32 to vector<16xf32>
      %mul3A_104 = arith.mulf %mul3A_103, %add3A_93 : vector<16xf32>
      %mul3A_105 = arith.mulf %mul3A_104, %bitcast_convert_type3A_101 : vector<16xf32>
      %mul3A_106 = arith.mulf %mul3A_105, %bitcast_convert_type3A_101 : vector<16xf32>
      %sub3A_107 = arith.constant 1.500000e+00 : f32
      %sub3A_108 = vector.broadcast %sub3A_107 : f32 to vector<16xf32>
      %sub3A_109 = arith.subf %sub3A_108, %mul3A_106 : vector<16xf32>
      %mul3A_110 = arith.mulf %bitcast_convert_type3A_101, %sub3A_109 : vector<16xf32>
      %min3A_111 = arith.constant 1.000000e+00 : f32
      %min3A_112 = vector.broadcast %min3A_111 : f32 to vector<16xf32>
      %min3A_113 = arith.minimumf %mul3A_110, %min3A_112 : vector<16xf32>
      %sub3A_114 = arith.subf %gather3A_45, %gather3A_59 : vector<16xf32>
      %sub3A_115 = arith.subf %gather3A_47, %gather3A_65 : vector<16xf32>
      %mul3A_116 = arith.mulf %sub3A_114, %sub3A_114 : vector<16xf32>
      %mul3A_117 = arith.mulf %sub3A_115, %sub3A_115 : vector<16xf32>
      %add3A_118 = arith.addf %mul3A_116, %mul3A_117 : vector<16xf32>
      %bitcast_convert_type3A_119 = tpu.bitcast %add3A_118 : vector<16xf32> -> vector<16xi32>
      %shift_right_logical3A_120 = arith.constant 1 : i32
      %shift_right_logical3A_121 = vector.broadcast %shift_right_logical3A_120 : i32 to vector<16xi32>
      %shift_right_logical3A_122 = arith.shrui %bitcast_convert_type3A_119, %shift_right_logical3A_121 : vector<16xi32>
      %sub3A_123 = arith.constant 1597463007 : i32
      %sub3A_124 = vector.broadcast %sub3A_123 : i32 to vector<16xi32>
      %sub3A_125 = arith.subi %sub3A_124, %shift_right_logical3A_122 : vector<16xi32>
      %bitcast_convert_type3A_126 = tpu.bitcast %sub3A_125 : vector<16xi32> -> vector<16xf32>
      %mul3A_127 = arith.constant 5.000000e-01 : f32
      %mul3A_128 = vector.broadcast %mul3A_127 : f32 to vector<16xf32>
      %mul3A_129 = arith.mulf %mul3A_128, %add3A_118 : vector<16xf32>
      %mul3A_130 = arith.mulf %mul3A_129, %bitcast_convert_type3A_126 : vector<16xf32>
      %mul3A_131 = arith.mulf %mul3A_130, %bitcast_convert_type3A_126 : vector<16xf32>
      %sub3A_132 = arith.constant 1.500000e+00 : f32
      %sub3A_133 = vector.broadcast %sub3A_132 : f32 to vector<16xf32>
      %sub3A_134 = arith.subf %sub3A_133, %mul3A_131 : vector<16xf32>
      %mul3A_135 = arith.mulf %bitcast_convert_type3A_126, %sub3A_134 : vector<16xf32>
      %min3A_136 = arith.constant 1.000000e+00 : f32
      %min3A_137 = vector.broadcast %min3A_136 : f32 to vector<16xf32>
      %min3A_138 = arith.minimumf %mul3A_135, %min3A_137 : vector<16xf32>
      %sub3A_139 = arith.subf %gather3A_52, %gather3A_59 : vector<16xf32>
      %sub3A_140 = arith.subf %gather3A_54, %gather3A_65 : vector<16xf32>
      %mul3A_141 = arith.mulf %sub3A_139, %sub3A_139 : vector<16xf32>
      %mul3A_142 = arith.mulf %sub3A_140, %sub3A_140 : vector<16xf32>
      %add3A_143 = arith.addf %mul3A_141, %mul3A_142 : vector<16xf32>
      %bitcast_convert_type3A_144 = tpu.bitcast %add3A_143 : vector<16xf32> -> vector<16xi32>
      %shift_right_logical3A_145 = arith.constant 1 : i32
      %shift_right_logical3A_146 = vector.broadcast %shift_right_logical3A_145 : i32 to vector<16xi32>
      %shift_right_logical3A_147 = arith.shrui %bitcast_convert_type3A_144, %shift_right_logical3A_146 : vector<16xi32>
      %sub3A_148 = arith.constant 1597463007 : i32
      %sub3A_149 = vector.broadcast %sub3A_148 : i32 to vector<16xi32>
      %sub3A_150 = arith.subi %sub3A_149, %shift_right_logical3A_147 : vector<16xi32>
      %bitcast_convert_type3A_151 = tpu.bitcast %sub3A_150 : vector<16xi32> -> vector<16xf32>
      %mul3A_152 = arith.constant 5.000000e-01 : f32
      %mul3A_153 = vector.broadcast %mul3A_152 : f32 to vector<16xf32>
      %mul3A_154 = arith.mulf %mul3A_153, %add3A_143 : vector<16xf32>
      %mul3A_155 = arith.mulf %mul3A_154, %bitcast_convert_type3A_151 : vector<16xf32>
      %mul3A_156 = arith.mulf %mul3A_155, %bitcast_convert_type3A_151 : vector<16xf32>
      %sub3A_157 = arith.constant 1.500000e+00 : f32
      %sub3A_158 = vector.broadcast %sub3A_157 : f32 to vector<16xf32>
      %sub3A_159 = arith.subf %sub3A_158, %mul3A_156 : vector<16xf32>
      %mul3A_160 = arith.mulf %bitcast_convert_type3A_151, %sub3A_159 : vector<16xf32>
      %min3A_161 = arith.constant 1.000000e+00 : f32
      %min3A_162 = vector.broadcast %min3A_161 : f32 to vector<16xf32>
      %min3A_163 = arith.minimumf %mul3A_160, %min3A_162 : vector<16xf32>
      %convert_element_type3A = arith.sitofp %sub3A : vector<16xi32> to vector<16xf32>
      %scan3A_164 = arith.constant 0 : i32
      %scan3A_165 = arith.constant 64 : i32
      %scan3A_166 = arith.addi %scan3A_164, %scan3A_165 : i32
      %scan3A_167 = arith.constant 4 : i32
      %scan3A_168:4 = scf.for %scan3A_442 = %scan3A_164 to %scan3A_166 step %scan3A_167 iter_args(%scan3A_443 = %convert_element_type3A, %scan3A_444 = %convert_element_type3A, %scan3A_445 = %convert_element_type3A, %scan3A_446 = %convert_element_type3A) -> (vector<16xf32>, vector<16xf32>, vector<16xf32>, vector<16xf32>)  : i32 {
        %shift_right_logical3A_447 = arith.constant 4 : i32
        %shift_right_logical3A_448 = arith.shrui %scan3A_442, %shift_right_logical3A_447 : i32
        %add3A_449 = vector.broadcast %shift_right_logical3A_448 : i32 to vector<16xi32>
        %add3A_450 = arith.addi %add3A_449, %sub3A : vector<16xi32>
        %and3A_451 = arith.constant 15 : i32
        %and3A_452 = arith.andi %scan3A_442, %and3A_451 : i32
        %add3A_453 = vector.broadcast %and3A_452 : i32 to vector<16xi32>
        %add3A_454 = arith.addi %add3A_453, %sub3A : vector<16xi32>
        %lt3A = arith.constant 2 : i32
        %lt3A_455 = vector.broadcast %lt3A : i32 to vector<16xi32>
        %lt3A_456 = arith.cmpi slt, %add3A_450, %lt3A_455 : vector<16xi32>
        %lt3A_457 = arith.constant 1 : i32
        %lt3A_458 = vector.broadcast %lt3A_457 : i32 to vector<16xi32>
        %lt3A_459 = arith.cmpi slt, %add3A_450, %lt3A_458 : vector<16xi32>
        %select_n3A = arith.select %lt3A_459, %gather3A, %gather3A_38 : vector<16xi1>, vector<16xf32>
        %lt3A_460 = arith.constant 3 : i32
        %lt3A_461 = vector.broadcast %lt3A_460 : i32 to vector<16xi32>
        %lt3A_462 = arith.cmpi slt, %add3A_450, %lt3A_461 : vector<16xi32>
        %select_n3A_463 = arith.select %lt3A_462, %gather3A_45, %gather3A_52 : vector<16xi1>, vector<16xf32>
        %select_n3A_464 = arith.select %lt3A_456, %select_n3A, %select_n3A_463 : vector<16xi1>, vector<16xf32>
        %reshape3A_465 = vector.shape_cast %add3A_454 : vector<16xi32> to vector<16x1xi32>
        %gather3A_466 = vector.shape_cast %reshape3A_465 : vector<16x1xi32> to vector<16xi32>
        %gather3A_467 = tpu.dynamic_gather %select_n3A_464[%gather3A_466] in [0] : vector<16xf32>, vector<16xi32> -> vector<16xf32>
        %lt3A_468 = arith.constant 2 : i32
        %lt3A_469 = vector.broadcast %lt3A_468 : i32 to vector<16xi32>
        %lt3A_470 = arith.cmpi slt, %add3A_450, %lt3A_469 : vector<16xi32>
        %lt3A_471 = arith.constant 1 : i32
        %lt3A_472 = vector.broadcast %lt3A_471 : i32 to vector<16xi32>
        %lt3A_473 = arith.cmpi slt, %add3A_450, %lt3A_472 : vector<16xi32>
        %select_n3A_474 = arith.select %lt3A_473, %gather3A_33, %gather3A_40 : vector<16xi1>, vector<16xf32>
        %lt3A_475 = arith.constant 3 : i32
        %lt3A_476 = vector.broadcast %lt3A_475 : i32 to vector<16xi32>
        %lt3A_477 = arith.cmpi slt, %add3A_450, %lt3A_476 : vector<16xi32>
        %select_n3A_478 = arith.select %lt3A_477, %gather3A_47, %gather3A_54 : vector<16xi1>, vector<16xf32>
        %select_n3A_479 = arith.select %lt3A_470, %select_n3A_474, %select_n3A_478 : vector<16xi1>, vector<16xf32>
        %reshape3A_480 = vector.shape_cast %add3A_454 : vector<16xi32> to vector<16x1xi32>
        %gather3A_481 = vector.shape_cast %reshape3A_480 : vector<16x1xi32> to vector<16xi32>
        %gather3A_482 = tpu.dynamic_gather %select_n3A_479[%gather3A_481] in [0] : vector<16xf32>, vector<16xi32> -> vector<16xf32>
        %sub3A_483 = arith.subf %gather3A, %gather3A_467 : vector<16xf32>
        %sub3A_484 = arith.subf %gather3A_33, %gather3A_482 : vector<16xf32>
        %mul3A_485 = arith.mulf %sub3A_483, %sub3A_483 : vector<16xf32>
        %mul3A_486 = arith.mulf %sub3A_484, %sub3A_484 : vector<16xf32>
        %add3A_487 = arith.addf %mul3A_485, %mul3A_486 : vector<16xf32>
        %bitcast_convert_type3A_488 = tpu.bitcast %add3A_487 : vector<16xf32> -> vector<16xi32>
        %shift_right_logical3A_489 = arith.constant 1 : i32
        %shift_right_logical3A_490 = vector.broadcast %shift_right_logical3A_489 : i32 to vector<16xi32>
        %shift_right_logical3A_491 = arith.shrui %bitcast_convert_type3A_488, %shift_right_logical3A_490 : vector<16xi32>
        %sub3A_492 = arith.constant 1597463007 : i32
        %sub3A_493 = vector.broadcast %sub3A_492 : i32 to vector<16xi32>
        %sub3A_494 = arith.subi %sub3A_493, %shift_right_logical3A_491 : vector<16xi32>
        %bitcast_convert_type3A_495 = tpu.bitcast %sub3A_494 : vector<16xi32> -> vector<16xf32>
        %mul3A_496 = arith.constant 5.000000e-01 : f32
        %mul3A_497 = vector.broadcast %mul3A_496 : f32 to vector<16xf32>
        %mul3A_498 = arith.mulf %mul3A_497, %add3A_487 : vector<16xf32>
        %mul3A_499 = arith.mulf %mul3A_498, %bitcast_convert_type3A_495 : vector<16xf32>
        %mul3A_500 = arith.mulf %mul3A_499, %bitcast_convert_type3A_495 : vector<16xf32>
        %sub3A_501 = arith.constant 1.500000e+00 : f32
        %sub3A_502 = vector.broadcast %sub3A_501 : f32 to vector<16xf32>
        %sub3A_503 = arith.subf %sub3A_502, %mul3A_500 : vector<16xf32>
        %mul3A_504 = arith.mulf %bitcast_convert_type3A_495, %sub3A_503 : vector<16xf32>
        %min3A_505 = arith.constant 1.000000e+00 : f32
        %min3A_506 = vector.broadcast %min3A_505 : f32 to vector<16xf32>
        %min3A_507 = arith.minimumf %mul3A_504, %min3A_506 : vector<16xf32>
        %sub3A_508 = arith.subf %gather3A_38, %gather3A_467 : vector<16xf32>
        %sub3A_509 = arith.subf %gather3A_40, %gather3A_482 : vector<16xf32>
        %mul3A_510 = arith.mulf %sub3A_508, %sub3A_508 : vector<16xf32>
        %mul3A_511 = arith.mulf %sub3A_509, %sub3A_509 : vector<16xf32>
        %add3A_512 = arith.addf %mul3A_510, %mul3A_511 : vector<16xf32>
        %bitcast_convert_type3A_513 = tpu.bitcast %add3A_512 : vector<16xf32> -> vector<16xi32>
        %shift_right_logical3A_514 = arith.constant 1 : i32
        %shift_right_logical3A_515 = vector.broadcast %shift_right_logical3A_514 : i32 to vector<16xi32>
        %shift_right_logical3A_516 = arith.shrui %bitcast_convert_type3A_513, %shift_right_logical3A_515 : vector<16xi32>
        %sub3A_517 = arith.constant 1597463007 : i32
        %sub3A_518 = vector.broadcast %sub3A_517 : i32 to vector<16xi32>
        %sub3A_519 = arith.subi %sub3A_518, %shift_right_logical3A_516 : vector<16xi32>
        %bitcast_convert_type3A_520 = tpu.bitcast %sub3A_519 : vector<16xi32> -> vector<16xf32>
        %mul3A_521 = arith.constant 5.000000e-01 : f32
        %mul3A_522 = vector.broadcast %mul3A_521 : f32 to vector<16xf32>
        %mul3A_523 = arith.mulf %mul3A_522, %add3A_512 : vector<16xf32>
        %mul3A_524 = arith.mulf %mul3A_523, %bitcast_convert_type3A_520 : vector<16xf32>
        %mul3A_525 = arith.mulf %mul3A_524, %bitcast_convert_type3A_520 : vector<16xf32>
        %sub3A_526 = arith.constant 1.500000e+00 : f32
        %sub3A_527 = vector.broadcast %sub3A_526 : f32 to vector<16xf32>
        %sub3A_528 = arith.subf %sub3A_527, %mul3A_525 : vector<16xf32>
        %mul3A_529 = arith.mulf %bitcast_convert_type3A_520, %sub3A_528 : vector<16xf32>
        %min3A_530 = arith.constant 1.000000e+00 : f32
        %min3A_531 = vector.broadcast %min3A_530 : f32 to vector<16xf32>
        %min3A_532 = arith.minimumf %mul3A_529, %min3A_531 : vector<16xf32>
        %sub3A_533 = arith.subf %gather3A_45, %gather3A_467 : vector<16xf32>
        %sub3A_534 = arith.subf %gather3A_47, %gather3A_482 : vector<16xf32>
        %mul3A_535 = arith.mulf %sub3A_533, %sub3A_533 : vector<16xf32>
        %mul3A_536 = arith.mulf %sub3A_534, %sub3A_534 : vector<16xf32>
        %add3A_537 = arith.addf %mul3A_535, %mul3A_536 : vector<16xf32>
        %bitcast_convert_type3A_538 = tpu.bitcast %add3A_537 : vector<16xf32> -> vector<16xi32>
        %shift_right_logical3A_539 = arith.constant 1 : i32
        %shift_right_logical3A_540 = vector.broadcast %shift_right_logical3A_539 : i32 to vector<16xi32>
        %shift_right_logical3A_541 = arith.shrui %bitcast_convert_type3A_538, %shift_right_logical3A_540 : vector<16xi32>
        %sub3A_542 = arith.constant 1597463007 : i32
        %sub3A_543 = vector.broadcast %sub3A_542 : i32 to vector<16xi32>
        %sub3A_544 = arith.subi %sub3A_543, %shift_right_logical3A_541 : vector<16xi32>
        %bitcast_convert_type3A_545 = tpu.bitcast %sub3A_544 : vector<16xi32> -> vector<16xf32>
        %mul3A_546 = arith.constant 5.000000e-01 : f32
        %mul3A_547 = vector.broadcast %mul3A_546 : f32 to vector<16xf32>
        %mul3A_548 = arith.mulf %mul3A_547, %add3A_537 : vector<16xf32>
        %mul3A_549 = arith.mulf %mul3A_548, %bitcast_convert_type3A_545 : vector<16xf32>
        %mul3A_550 = arith.mulf %mul3A_549, %bitcast_convert_type3A_545 : vector<16xf32>
        %sub3A_551 = arith.constant 1.500000e+00 : f32
        %sub3A_552 = vector.broadcast %sub3A_551 : f32 to vector<16xf32>
        %sub3A_553 = arith.subf %sub3A_552, %mul3A_550 : vector<16xf32>
        %mul3A_554 = arith.mulf %bitcast_convert_type3A_545, %sub3A_553 : vector<16xf32>
        %min3A_555 = arith.constant 1.000000e+00 : f32
        %min3A_556 = vector.broadcast %min3A_555 : f32 to vector<16xf32>
        %min3A_557 = arith.minimumf %mul3A_554, %min3A_556 : vector<16xf32>
        %sub3A_558 = arith.subf %gather3A_52, %gather3A_467 : vector<16xf32>
        %sub3A_559 = arith.subf %gather3A_54, %gather3A_482 : vector<16xf32>
        %mul3A_560 = arith.mulf %sub3A_558, %sub3A_558 : vector<16xf32>
        %mul3A_561 = arith.mulf %sub3A_559, %sub3A_559 : vector<16xf32>
        %add3A_562 = arith.addf %mul3A_560, %mul3A_561 : vector<16xf32>
        %bitcast_convert_type3A_563 = tpu.bitcast %add3A_562 : vector<16xf32> -> vector<16xi32>
        %shift_right_logical3A_564 = arith.constant 1 : i32
        %shift_right_logical3A_565 = vector.broadcast %shift_right_logical3A_564 : i32 to vector<16xi32>
        %shift_right_logical3A_566 = arith.shrui %bitcast_convert_type3A_563, %shift_right_logical3A_565 : vector<16xi32>
        %sub3A_567 = arith.constant 1597463007 : i32
        %sub3A_568 = vector.broadcast %sub3A_567 : i32 to vector<16xi32>
        %sub3A_569 = arith.subi %sub3A_568, %shift_right_logical3A_566 : vector<16xi32>
        %bitcast_convert_type3A_570 = tpu.bitcast %sub3A_569 : vector<16xi32> -> vector<16xf32>
        %mul3A_571 = arith.constant 5.000000e-01 : f32
        %mul3A_572 = vector.broadcast %mul3A_571 : f32 to vector<16xf32>
        %mul3A_573 = arith.mulf %mul3A_572, %add3A_562 : vector<16xf32>
        %mul3A_574 = arith.mulf %mul3A_573, %bitcast_convert_type3A_570 : vector<16xf32>
        %mul3A_575 = arith.mulf %mul3A_574, %bitcast_convert_type3A_570 : vector<16xf32>
        %sub3A_576 = arith.constant 1.500000e+00 : f32
        %sub3A_577 = vector.broadcast %sub3A_576 : f32 to vector<16xf32>
        %sub3A_578 = arith.subf %sub3A_577, %mul3A_575 : vector<16xf32>
        %mul3A_579 = arith.mulf %bitcast_convert_type3A_570, %sub3A_578 : vector<16xf32>
        %min3A_580 = arith.constant 1.000000e+00 : f32
        %min3A_581 = vector.broadcast %min3A_580 : f32 to vector<16xf32>
        %min3A_582 = arith.minimumf %mul3A_579, %min3A_581 : vector<16xf32>
        %add3A_583 = arith.addf %scan3A_443, %min3A_507 : vector<16xf32>
        %add3A_584 = arith.addf %scan3A_444, %min3A_532 : vector<16xf32>
        %add3A_585 = arith.addf %scan3A_445, %min3A_557 : vector<16xf32>
        %add3A_586 = arith.addf %scan3A_446, %min3A_582 : vector<16xf32>
        %scan3A_587 = arith.constant 1 : i32
        %scan3A_588 = arith.addi %scan3A_442, %scan3A_587 : i32
        %shift_right_logical3A_589 = arith.constant 4 : i32
        %shift_right_logical3A_590 = arith.shrui %scan3A_588, %shift_right_logical3A_589 : i32
        %add3A_591 = vector.broadcast %shift_right_logical3A_590 : i32 to vector<16xi32>
        %add3A_592 = arith.addi %add3A_591, %sub3A : vector<16xi32>
        %and3A_593 = arith.constant 15 : i32
        %and3A_594 = arith.andi %scan3A_588, %and3A_593 : i32
        %add3A_595 = vector.broadcast %and3A_594 : i32 to vector<16xi32>
        %add3A_596 = arith.addi %add3A_595, %sub3A : vector<16xi32>
        %lt3A_597 = arith.constant 2 : i32
        %lt3A_598 = vector.broadcast %lt3A_597 : i32 to vector<16xi32>
        %lt3A_599 = arith.cmpi slt, %add3A_592, %lt3A_598 : vector<16xi32>
        %lt3A_600 = arith.constant 1 : i32
        %lt3A_601 = vector.broadcast %lt3A_600 : i32 to vector<16xi32>
        %lt3A_602 = arith.cmpi slt, %add3A_592, %lt3A_601 : vector<16xi32>
        %select_n3A_603 = arith.select %lt3A_602, %gather3A, %gather3A_38 : vector<16xi1>, vector<16xf32>
        %lt3A_604 = arith.constant 3 : i32
        %lt3A_605 = vector.broadcast %lt3A_604 : i32 to vector<16xi32>
        %lt3A_606 = arith.cmpi slt, %add3A_592, %lt3A_605 : vector<16xi32>
        %select_n3A_607 = arith.select %lt3A_606, %gather3A_45, %gather3A_52 : vector<16xi1>, vector<16xf32>
        %select_n3A_608 = arith.select %lt3A_599, %select_n3A_603, %select_n3A_607 : vector<16xi1>, vector<16xf32>
        %reshape3A_609 = vector.shape_cast %add3A_596 : vector<16xi32> to vector<16x1xi32>
        %gather3A_610 = vector.shape_cast %reshape3A_609 : vector<16x1xi32> to vector<16xi32>
        %gather3A_611 = tpu.dynamic_gather %select_n3A_608[%gather3A_610] in [0] : vector<16xf32>, vector<16xi32> -> vector<16xf32>
        %lt3A_612 = arith.constant 2 : i32
        %lt3A_613 = vector.broadcast %lt3A_612 : i32 to vector<16xi32>
        %lt3A_614 = arith.cmpi slt, %add3A_592, %lt3A_613 : vector<16xi32>
        %lt3A_615 = arith.constant 1 : i32
        %lt3A_616 = vector.broadcast %lt3A_615 : i32 to vector<16xi32>
        %lt3A_617 = arith.cmpi slt, %add3A_592, %lt3A_616 : vector<16xi32>
        %select_n3A_618 = arith.select %lt3A_617, %gather3A_33, %gather3A_40 : vector<16xi1>, vector<16xf32>
        %lt3A_619 = arith.constant 3 : i32
        %lt3A_620 = vector.broadcast %lt3A_619 : i32 to vector<16xi32>
        %lt3A_621 = arith.cmpi slt, %add3A_592, %lt3A_620 : vector<16xi32>
        %select_n3A_622 = arith.select %lt3A_621, %gather3A_47, %gather3A_54 : vector<16xi1>, vector<16xf32>
        %select_n3A_623 = arith.select %lt3A_614, %select_n3A_618, %select_n3A_622 : vector<16xi1>, vector<16xf32>
        %reshape3A_624 = vector.shape_cast %add3A_596 : vector<16xi32> to vector<16x1xi32>
        %gather3A_625 = vector.shape_cast %reshape3A_624 : vector<16x1xi32> to vector<16xi32>
        %gather3A_626 = tpu.dynamic_gather %select_n3A_623[%gather3A_625] in [0] : vector<16xf32>, vector<16xi32> -> vector<16xf32>
        %sub3A_627 = arith.subf %gather3A, %gather3A_611 : vector<16xf32>
        %sub3A_628 = arith.subf %gather3A_33, %gather3A_626 : vector<16xf32>
        %mul3A_629 = arith.mulf %sub3A_627, %sub3A_627 : vector<16xf32>
        %mul3A_630 = arith.mulf %sub3A_628, %sub3A_628 : vector<16xf32>
        %add3A_631 = arith.addf %mul3A_629, %mul3A_630 : vector<16xf32>
        %bitcast_convert_type3A_632 = tpu.bitcast %add3A_631 : vector<16xf32> -> vector<16xi32>
        %shift_right_logical3A_633 = arith.constant 1 : i32
        %shift_right_logical3A_634 = vector.broadcast %shift_right_logical3A_633 : i32 to vector<16xi32>
        %shift_right_logical3A_635 = arith.shrui %bitcast_convert_type3A_632, %shift_right_logical3A_634 : vector<16xi32>
        %sub3A_636 = arith.constant 1597463007 : i32
        %sub3A_637 = vector.broadcast %sub3A_636 : i32 to vector<16xi32>
        %sub3A_638 = arith.subi %sub3A_637, %shift_right_logical3A_635 : vector<16xi32>
        %bitcast_convert_type3A_639 = tpu.bitcast %sub3A_638 : vector<16xi32> -> vector<16xf32>
        %mul3A_640 = arith.constant 5.000000e-01 : f32
        %mul3A_641 = vector.broadcast %mul3A_640 : f32 to vector<16xf32>
        %mul3A_642 = arith.mulf %mul3A_641, %add3A_631 : vector<16xf32>
        %mul3A_643 = arith.mulf %mul3A_642, %bitcast_convert_type3A_639 : vector<16xf32>
        %mul3A_644 = arith.mulf %mul3A_643, %bitcast_convert_type3A_639 : vector<16xf32>
        %sub3A_645 = arith.constant 1.500000e+00 : f32
        %sub3A_646 = vector.broadcast %sub3A_645 : f32 to vector<16xf32>
        %sub3A_647 = arith.subf %sub3A_646, %mul3A_644 : vector<16xf32>
        %mul3A_648 = arith.mulf %bitcast_convert_type3A_639, %sub3A_647 : vector<16xf32>
        %min3A_649 = arith.constant 1.000000e+00 : f32
        %min3A_650 = vector.broadcast %min3A_649 : f32 to vector<16xf32>
        %min3A_651 = arith.minimumf %mul3A_648, %min3A_650 : vector<16xf32>
        %sub3A_652 = arith.subf %gather3A_38, %gather3A_611 : vector<16xf32>
        %sub3A_653 = arith.subf %gather3A_40, %gather3A_626 : vector<16xf32>
        %mul3A_654 = arith.mulf %sub3A_652, %sub3A_652 : vector<16xf32>
        %mul3A_655 = arith.mulf %sub3A_653, %sub3A_653 : vector<16xf32>
        %add3A_656 = arith.addf %mul3A_654, %mul3A_655 : vector<16xf32>
        %bitcast_convert_type3A_657 = tpu.bitcast %add3A_656 : vector<16xf32> -> vector<16xi32>
        %shift_right_logical3A_658 = arith.constant 1 : i32
        %shift_right_logical3A_659 = vector.broadcast %shift_right_logical3A_658 : i32 to vector<16xi32>
        %shift_right_logical3A_660 = arith.shrui %bitcast_convert_type3A_657, %shift_right_logical3A_659 : vector<16xi32>
        %sub3A_661 = arith.constant 1597463007 : i32
        %sub3A_662 = vector.broadcast %sub3A_661 : i32 to vector<16xi32>
        %sub3A_663 = arith.subi %sub3A_662, %shift_right_logical3A_660 : vector<16xi32>
        %bitcast_convert_type3A_664 = tpu.bitcast %sub3A_663 : vector<16xi32> -> vector<16xf32>
        %mul3A_665 = arith.constant 5.000000e-01 : f32
        %mul3A_666 = vector.broadcast %mul3A_665 : f32 to vector<16xf32>
        %mul3A_667 = arith.mulf %mul3A_666, %add3A_656 : vector<16xf32>
        %mul3A_668 = arith.mulf %mul3A_667, %bitcast_convert_type3A_664 : vector<16xf32>
        %mul3A_669 = arith.mulf %mul3A_668, %bitcast_convert_type3A_664 : vector<16xf32>
        %sub3A_670 = arith.constant 1.500000e+00 : f32
        %sub3A_671 = vector.broadcast %sub3A_670 : f32 to vector<16xf32>
        %sub3A_672 = arith.subf %sub3A_671, %mul3A_669 : vector<16xf32>
        %mul3A_673 = arith.mulf %bitcast_convert_type3A_664, %sub3A_672 : vector<16xf32>
        %min3A_674 = arith.constant 1.000000e+00 : f32
        %min3A_675 = vector.broadcast %min3A_674 : f32 to vector<16xf32>
        %min3A_676 = arith.minimumf %mul3A_673, %min3A_675 : vector<16xf32>
        %sub3A_677 = arith.subf %gather3A_45, %gather3A_611 : vector<16xf32>
        %sub3A_678 = arith.subf %gather3A_47, %gather3A_626 : vector<16xf32>
        %mul3A_679 = arith.mulf %sub3A_677, %sub3A_677 : vector<16xf32>
        %mul3A_680 = arith.mulf %sub3A_678, %sub3A_678 : vector<16xf32>
        %add3A_681 = arith.addf %mul3A_679, %mul3A_680 : vector<16xf32>
        %bitcast_convert_type3A_682 = tpu.bitcast %add3A_681 : vector<16xf32> -> vector<16xi32>
        %shift_right_logical3A_683 = arith.constant 1 : i32
        %shift_right_logical3A_684 = vector.broadcast %shift_right_logical3A_683 : i32 to vector<16xi32>
        %shift_right_logical3A_685 = arith.shrui %bitcast_convert_type3A_682, %shift_right_logical3A_684 : vector<16xi32>
        %sub3A_686 = arith.constant 1597463007 : i32
        %sub3A_687 = vector.broadcast %sub3A_686 : i32 to vector<16xi32>
        %sub3A_688 = arith.subi %sub3A_687, %shift_right_logical3A_685 : vector<16xi32>
        %bitcast_convert_type3A_689 = tpu.bitcast %sub3A_688 : vector<16xi32> -> vector<16xf32>
        %mul3A_690 = arith.constant 5.000000e-01 : f32
        %mul3A_691 = vector.broadcast %mul3A_690 : f32 to vector<16xf32>
        %mul3A_692 = arith.mulf %mul3A_691, %add3A_681 : vector<16xf32>
        %mul3A_693 = arith.mulf %mul3A_692, %bitcast_convert_type3A_689 : vector<16xf32>
        %mul3A_694 = arith.mulf %mul3A_693, %bitcast_convert_type3A_689 : vector<16xf32>
        %sub3A_695 = arith.constant 1.500000e+00 : f32
        %sub3A_696 = vector.broadcast %sub3A_695 : f32 to vector<16xf32>
        %sub3A_697 = arith.subf %sub3A_696, %mul3A_694 : vector<16xf32>
        %mul3A_698 = arith.mulf %bitcast_convert_type3A_689, %sub3A_697 : vector<16xf32>
        %min3A_699 = arith.constant 1.000000e+00 : f32
        %min3A_700 = vector.broadcast %min3A_699 : f32 to vector<16xf32>
        %min3A_701 = arith.minimumf %mul3A_698, %min3A_700 : vector<16xf32>
        %sub3A_702 = arith.subf %gather3A_52, %gather3A_611 : vector<16xf32>
        %sub3A_703 = arith.subf %gather3A_54, %gather3A_626 : vector<16xf32>
        %mul3A_704 = arith.mulf %sub3A_702, %sub3A_702 : vector<16xf32>
        %mul3A_705 = arith.mulf %sub3A_703, %sub3A_703 : vector<16xf32>
        %add3A_706 = arith.addf %mul3A_704, %mul3A_705 : vector<16xf32>
        %bitcast_convert_type3A_707 = tpu.bitcast %add3A_706 : vector<16xf32> -> vector<16xi32>
        %shift_right_logical3A_708 = arith.constant 1 : i32
        %shift_right_logical3A_709 = vector.broadcast %shift_right_logical3A_708 : i32 to vector<16xi32>
        %shift_right_logical3A_710 = arith.shrui %bitcast_convert_type3A_707, %shift_right_logical3A_709 : vector<16xi32>
        %sub3A_711 = arith.constant 1597463007 : i32
        %sub3A_712 = vector.broadcast %sub3A_711 : i32 to vector<16xi32>
        %sub3A_713 = arith.subi %sub3A_712, %shift_right_logical3A_710 : vector<16xi32>
        %bitcast_convert_type3A_714 = tpu.bitcast %sub3A_713 : vector<16xi32> -> vector<16xf32>
        %mul3A_715 = arith.constant 5.000000e-01 : f32
        %mul3A_716 = vector.broadcast %mul3A_715 : f32 to vector<16xf32>
        %mul3A_717 = arith.mulf %mul3A_716, %add3A_706 : vector<16xf32>
        %mul3A_718 = arith.mulf %mul3A_717, %bitcast_convert_type3A_714 : vector<16xf32>
        %mul3A_719 = arith.mulf %mul3A_718, %bitcast_convert_type3A_714 : vector<16xf32>
        %sub3A_720 = arith.constant 1.500000e+00 : f32
        %sub3A_721 = vector.broadcast %sub3A_720 : f32 to vector<16xf32>
        %sub3A_722 = arith.subf %sub3A_721, %mul3A_719 : vector<16xf32>
        %mul3A_723 = arith.mulf %bitcast_convert_type3A_714, %sub3A_722 : vector<16xf32>
        %min3A_724 = arith.constant 1.000000e+00 : f32
        %min3A_725 = vector.broadcast %min3A_724 : f32 to vector<16xf32>
        %min3A_726 = arith.minimumf %mul3A_723, %min3A_725 : vector<16xf32>
        %add3A_727 = arith.addf %add3A_583, %min3A_651 : vector<16xf32>
        %add3A_728 = arith.addf %add3A_584, %min3A_676 : vector<16xf32>
        %add3A_729 = arith.addf %add3A_585, %min3A_701 : vector<16xf32>
        %add3A_730 = arith.addf %add3A_586, %min3A_726 : vector<16xf32>
        %scan3A_731 = arith.constant 2 : i32
        %scan3A_732 = arith.addi %scan3A_442, %scan3A_731 : i32
        %shift_right_logical3A_733 = arith.constant 4 : i32
        %shift_right_logical3A_734 = arith.shrui %scan3A_732, %shift_right_logical3A_733 : i32
        %add3A_735 = vector.broadcast %shift_right_logical3A_734 : i32 to vector<16xi32>
        %add3A_736 = arith.addi %add3A_735, %sub3A : vector<16xi32>
        %and3A_737 = arith.constant 15 : i32
        %and3A_738 = arith.andi %scan3A_732, %and3A_737 : i32
        %add3A_739 = vector.broadcast %and3A_738 : i32 to vector<16xi32>
        %add3A_740 = arith.addi %add3A_739, %sub3A : vector<16xi32>
        %lt3A_741 = arith.constant 2 : i32
        %lt3A_742 = vector.broadcast %lt3A_741 : i32 to vector<16xi32>
        %lt3A_743 = arith.cmpi slt, %add3A_736, %lt3A_742 : vector<16xi32>
        %lt3A_744 = arith.constant 1 : i32
        %lt3A_745 = vector.broadcast %lt3A_744 : i32 to vector<16xi32>
        %lt3A_746 = arith.cmpi slt, %add3A_736, %lt3A_745 : vector<16xi32>
        %select_n3A_747 = arith.select %lt3A_746, %gather3A, %gather3A_38 : vector<16xi1>, vector<16xf32>
        %lt3A_748 = arith.constant 3 : i32
        %lt3A_749 = vector.broadcast %lt3A_748 : i32 to vector<16xi32>
        %lt3A_750 = arith.cmpi slt, %add3A_736, %lt3A_749 : vector<16xi32>
        %select_n3A_751 = arith.select %lt3A_750, %gather3A_45, %gather3A_52 : vector<16xi1>, vector<16xf32>
        %select_n3A_752 = arith.select %lt3A_743, %select_n3A_747, %select_n3A_751 : vector<16xi1>, vector<16xf32>
        %reshape3A_753 = vector.shape_cast %add3A_740 : vector<16xi32> to vector<16x1xi32>
        %gather3A_754 = vector.shape_cast %reshape3A_753 : vector<16x1xi32> to vector<16xi32>
        %gather3A_755 = tpu.dynamic_gather %select_n3A_752[%gather3A_754] in [0] : vector<16xf32>, vector<16xi32> -> vector<16xf32>
        %lt3A_756 = arith.constant 2 : i32
        %lt3A_757 = vector.broadcast %lt3A_756 : i32 to vector<16xi32>
        %lt3A_758 = arith.cmpi slt, %add3A_736, %lt3A_757 : vector<16xi32>
        %lt3A_759 = arith.constant 1 : i32
        %lt3A_760 = vector.broadcast %lt3A_759 : i32 to vector<16xi32>
        %lt3A_761 = arith.cmpi slt, %add3A_736, %lt3A_760 : vector<16xi32>
        %select_n3A_762 = arith.select %lt3A_761, %gather3A_33, %gather3A_40 : vector<16xi1>, vector<16xf32>
        %lt3A_763 = arith.constant 3 : i32
        %lt3A_764 = vector.broadcast %lt3A_763 : i32 to vector<16xi32>
        %lt3A_765 = arith.cmpi slt, %add3A_736, %lt3A_764 : vector<16xi32>
        %select_n3A_766 = arith.select %lt3A_765, %gather3A_47, %gather3A_54 : vector<16xi1>, vector<16xf32>
        %select_n3A_767 = arith.select %lt3A_758, %select_n3A_762, %select_n3A_766 : vector<16xi1>, vector<16xf32>
        %reshape3A_768 = vector.shape_cast %add3A_740 : vector<16xi32> to vector<16x1xi32>
        %gather3A_769 = vector.shape_cast %reshape3A_768 : vector<16x1xi32> to vector<16xi32>
        %gather3A_770 = tpu.dynamic_gather %select_n3A_767[%gather3A_769] in [0] : vector<16xf32>, vector<16xi32> -> vector<16xf32>
        %sub3A_771 = arith.subf %gather3A, %gather3A_755 : vector<16xf32>
        %sub3A_772 = arith.subf %gather3A_33, %gather3A_770 : vector<16xf32>
        %mul3A_773 = arith.mulf %sub3A_771, %sub3A_771 : vector<16xf32>
        %mul3A_774 = arith.mulf %sub3A_772, %sub3A_772 : vector<16xf32>
        %add3A_775 = arith.addf %mul3A_773, %mul3A_774 : vector<16xf32>
        %bitcast_convert_type3A_776 = tpu.bitcast %add3A_775 : vector<16xf32> -> vector<16xi32>
        %shift_right_logical3A_777 = arith.constant 1 : i32
        %shift_right_logical3A_778 = vector.broadcast %shift_right_logical3A_777 : i32 to vector<16xi32>
        %shift_right_logical3A_779 = arith.shrui %bitcast_convert_type3A_776, %shift_right_logical3A_778 : vector<16xi32>
        %sub3A_780 = arith.constant 1597463007 : i32
        %sub3A_781 = vector.broadcast %sub3A_780 : i32 to vector<16xi32>
        %sub3A_782 = arith.subi %sub3A_781, %shift_right_logical3A_779 : vector<16xi32>
        %bitcast_convert_type3A_783 = tpu.bitcast %sub3A_782 : vector<16xi32> -> vector<16xf32>
        %mul3A_784 = arith.constant 5.000000e-01 : f32
        %mul3A_785 = vector.broadcast %mul3A_784 : f32 to vector<16xf32>
        %mul3A_786 = arith.mulf %mul3A_785, %add3A_775 : vector<16xf32>
        %mul3A_787 = arith.mulf %mul3A_786, %bitcast_convert_type3A_783 : vector<16xf32>
        %mul3A_788 = arith.mulf %mul3A_787, %bitcast_convert_type3A_783 : vector<16xf32>
        %sub3A_789 = arith.constant 1.500000e+00 : f32
        %sub3A_790 = vector.broadcast %sub3A_789 : f32 to vector<16xf32>
        %sub3A_791 = arith.subf %sub3A_790, %mul3A_788 : vector<16xf32>
        %mul3A_792 = arith.mulf %bitcast_convert_type3A_783, %sub3A_791 : vector<16xf32>
        %min3A_793 = arith.constant 1.000000e+00 : f32
        %min3A_794 = vector.broadcast %min3A_793 : f32 to vector<16xf32>
        %min3A_795 = arith.minimumf %mul3A_792, %min3A_794 : vector<16xf32>
        %sub3A_796 = arith.subf %gather3A_38, %gather3A_755 : vector<16xf32>
        %sub3A_797 = arith.subf %gather3A_40, %gather3A_770 : vector<16xf32>
        %mul3A_798 = arith.mulf %sub3A_796, %sub3A_796 : vector<16xf32>
        %mul3A_799 = arith.mulf %sub3A_797, %sub3A_797 : vector<16xf32>
        %add3A_800 = arith.addf %mul3A_798, %mul3A_799 : vector<16xf32>
        %bitcast_convert_type3A_801 = tpu.bitcast %add3A_800 : vector<16xf32> -> vector<16xi32>
        %shift_right_logical3A_802 = arith.constant 1 : i32
        %shift_right_logical3A_803 = vector.broadcast %shift_right_logical3A_802 : i32 to vector<16xi32>
        %shift_right_logical3A_804 = arith.shrui %bitcast_convert_type3A_801, %shift_right_logical3A_803 : vector<16xi32>
        %sub3A_805 = arith.constant 1597463007 : i32
        %sub3A_806 = vector.broadcast %sub3A_805 : i32 to vector<16xi32>
        %sub3A_807 = arith.subi %sub3A_806, %shift_right_logical3A_804 : vector<16xi32>
        %bitcast_convert_type3A_808 = tpu.bitcast %sub3A_807 : vector<16xi32> -> vector<16xf32>
        %mul3A_809 = arith.constant 5.000000e-01 : f32
        %mul3A_810 = vector.broadcast %mul3A_809 : f32 to vector<16xf32>
        %mul3A_811 = arith.mulf %mul3A_810, %add3A_800 : vector<16xf32>
        %mul3A_812 = arith.mulf %mul3A_811, %bitcast_convert_type3A_808 : vector<16xf32>
        %mul3A_813 = arith.mulf %mul3A_812, %bitcast_convert_type3A_808 : vector<16xf32>
        %sub3A_814 = arith.constant 1.500000e+00 : f32
        %sub3A_815 = vector.broadcast %sub3A_814 : f32 to vector<16xf32>
        %sub3A_816 = arith.subf %sub3A_815, %mul3A_813 : vector<16xf32>
        %mul3A_817 = arith.mulf %bitcast_convert_type3A_808, %sub3A_816 : vector<16xf32>
        %min3A_818 = arith.constant 1.000000e+00 : f32
        %min3A_819 = vector.broadcast %min3A_818 : f32 to vector<16xf32>
        %min3A_820 = arith.minimumf %mul3A_817, %min3A_819 : vector<16xf32>
        %sub3A_821 = arith.subf %gather3A_45, %gather3A_755 : vector<16xf32>
        %sub3A_822 = arith.subf %gather3A_47, %gather3A_770 : vector<16xf32>
        %mul3A_823 = arith.mulf %sub3A_821, %sub3A_821 : vector<16xf32>
        %mul3A_824 = arith.mulf %sub3A_822, %sub3A_822 : vector<16xf32>
        %add3A_825 = arith.addf %mul3A_823, %mul3A_824 : vector<16xf32>
        %bitcast_convert_type3A_826 = tpu.bitcast %add3A_825 : vector<16xf32> -> vector<16xi32>
        %shift_right_logical3A_827 = arith.constant 1 : i32
        %shift_right_logical3A_828 = vector.broadcast %shift_right_logical3A_827 : i32 to vector<16xi32>
        %shift_right_logical3A_829 = arith.shrui %bitcast_convert_type3A_826, %shift_right_logical3A_828 : vector<16xi32>
        %sub3A_830 = arith.constant 1597463007 : i32
        %sub3A_831 = vector.broadcast %sub3A_830 : i32 to vector<16xi32>
        %sub3A_832 = arith.subi %sub3A_831, %shift_right_logical3A_829 : vector<16xi32>
        %bitcast_convert_type3A_833 = tpu.bitcast %sub3A_832 : vector<16xi32> -> vector<16xf32>
        %mul3A_834 = arith.constant 5.000000e-01 : f32
        %mul3A_835 = vector.broadcast %mul3A_834 : f32 to vector<16xf32>
        %mul3A_836 = arith.mulf %mul3A_835, %add3A_825 : vector<16xf32>
        %mul3A_837 = arith.mulf %mul3A_836, %bitcast_convert_type3A_833 : vector<16xf32>
        %mul3A_838 = arith.mulf %mul3A_837, %bitcast_convert_type3A_833 : vector<16xf32>
        %sub3A_839 = arith.constant 1.500000e+00 : f32
        %sub3A_840 = vector.broadcast %sub3A_839 : f32 to vector<16xf32>
        %sub3A_841 = arith.subf %sub3A_840, %mul3A_838 : vector<16xf32>
        %mul3A_842 = arith.mulf %bitcast_convert_type3A_833, %sub3A_841 : vector<16xf32>
        %min3A_843 = arith.constant 1.000000e+00 : f32
        %min3A_844 = vector.broadcast %min3A_843 : f32 to vector<16xf32>
        %min3A_845 = arith.minimumf %mul3A_842, %min3A_844 : vector<16xf32>
        %sub3A_846 = arith.subf %gather3A_52, %gather3A_755 : vector<16xf32>
        %sub3A_847 = arith.subf %gather3A_54, %gather3A_770 : vector<16xf32>
        %mul3A_848 = arith.mulf %sub3A_846, %sub3A_846 : vector<16xf32>
        %mul3A_849 = arith.mulf %sub3A_847, %sub3A_847 : vector<16xf32>
        %add3A_850 = arith.addf %mul3A_848, %mul3A_849 : vector<16xf32>
        %bitcast_convert_type3A_851 = tpu.bitcast %add3A_850 : vector<16xf32> -> vector<16xi32>
        %shift_right_logical3A_852 = arith.constant 1 : i32
        %shift_right_logical3A_853 = vector.broadcast %shift_right_logical3A_852 : i32 to vector<16xi32>
        %shift_right_logical3A_854 = arith.shrui %bitcast_convert_type3A_851, %shift_right_logical3A_853 : vector<16xi32>
        %sub3A_855 = arith.constant 1597463007 : i32
        %sub3A_856 = vector.broadcast %sub3A_855 : i32 to vector<16xi32>
        %sub3A_857 = arith.subi %sub3A_856, %shift_right_logical3A_854 : vector<16xi32>
        %bitcast_convert_type3A_858 = tpu.bitcast %sub3A_857 : vector<16xi32> -> vector<16xf32>
        %mul3A_859 = arith.constant 5.000000e-01 : f32
        %mul3A_860 = vector.broadcast %mul3A_859 : f32 to vector<16xf32>
        %mul3A_861 = arith.mulf %mul3A_860, %add3A_850 : vector<16xf32>
        %mul3A_862 = arith.mulf %mul3A_861, %bitcast_convert_type3A_858 : vector<16xf32>
        %mul3A_863 = arith.mulf %mul3A_862, %bitcast_convert_type3A_858 : vector<16xf32>
        %sub3A_864 = arith.constant 1.500000e+00 : f32
        %sub3A_865 = vector.broadcast %sub3A_864 : f32 to vector<16xf32>
        %sub3A_866 = arith.subf %sub3A_865, %mul3A_863 : vector<16xf32>
        %mul3A_867 = arith.mulf %bitcast_convert_type3A_858, %sub3A_866 : vector<16xf32>
        %min3A_868 = arith.constant 1.000000e+00 : f32
        %min3A_869 = vector.broadcast %min3A_868 : f32 to vector<16xf32>
        %min3A_870 = arith.minimumf %mul3A_867, %min3A_869 : vector<16xf32>
        %add3A_871 = arith.addf %add3A_727, %min3A_795 : vector<16xf32>
        %add3A_872 = arith.addf %add3A_728, %min3A_820 : vector<16xf32>
        %add3A_873 = arith.addf %add3A_729, %min3A_845 : vector<16xf32>
        %add3A_874 = arith.addf %add3A_730, %min3A_870 : vector<16xf32>
        %scan3A_875 = arith.constant 3 : i32
        %scan3A_876 = arith.addi %scan3A_442, %scan3A_875 : i32
        %shift_right_logical3A_877 = arith.constant 4 : i32
        %shift_right_logical3A_878 = arith.shrui %scan3A_876, %shift_right_logical3A_877 : i32
        %add3A_879 = vector.broadcast %shift_right_logical3A_878 : i32 to vector<16xi32>
        %add3A_880 = arith.addi %add3A_879, %sub3A : vector<16xi32>
        %and3A_881 = arith.constant 15 : i32
        %and3A_882 = arith.andi %scan3A_876, %and3A_881 : i32
        %add3A_883 = vector.broadcast %and3A_882 : i32 to vector<16xi32>
        %add3A_884 = arith.addi %add3A_883, %sub3A : vector<16xi32>
        %lt3A_885 = arith.constant 2 : i32
        %lt3A_886 = vector.broadcast %lt3A_885 : i32 to vector<16xi32>
        %lt3A_887 = arith.cmpi slt, %add3A_880, %lt3A_886 : vector<16xi32>
        %lt3A_888 = arith.constant 1 : i32
        %lt3A_889 = vector.broadcast %lt3A_888 : i32 to vector<16xi32>
        %lt3A_890 = arith.cmpi slt, %add3A_880, %lt3A_889 : vector<16xi32>
        %select_n3A_891 = arith.select %lt3A_890, %gather3A, %gather3A_38 : vector<16xi1>, vector<16xf32>
        %lt3A_892 = arith.constant 3 : i32
        %lt3A_893 = vector.broadcast %lt3A_892 : i32 to vector<16xi32>
        %lt3A_894 = arith.cmpi slt, %add3A_880, %lt3A_893 : vector<16xi32>
        %select_n3A_895 = arith.select %lt3A_894, %gather3A_45, %gather3A_52 : vector<16xi1>, vector<16xf32>
        %select_n3A_896 = arith.select %lt3A_887, %select_n3A_891, %select_n3A_895 : vector<16xi1>, vector<16xf32>
        %reshape3A_897 = vector.shape_cast %add3A_884 : vector<16xi32> to vector<16x1xi32>
        %gather3A_898 = vector.shape_cast %reshape3A_897 : vector<16x1xi32> to vector<16xi32>
        %gather3A_899 = tpu.dynamic_gather %select_n3A_896[%gather3A_898] in [0] : vector<16xf32>, vector<16xi32> -> vector<16xf32>
        %lt3A_900 = arith.constant 2 : i32
        %lt3A_901 = vector.broadcast %lt3A_900 : i32 to vector<16xi32>
        %lt3A_902 = arith.cmpi slt, %add3A_880, %lt3A_901 : vector<16xi32>
        %lt3A_903 = arith.constant 1 : i32
        %lt3A_904 = vector.broadcast %lt3A_903 : i32 to vector<16xi32>
        %lt3A_905 = arith.cmpi slt, %add3A_880, %lt3A_904 : vector<16xi32>
        %select_n3A_906 = arith.select %lt3A_905, %gather3A_33, %gather3A_40 : vector<16xi1>, vector<16xf32>
        %lt3A_907 = arith.constant 3 : i32
        %lt3A_908 = vector.broadcast %lt3A_907 : i32 to vector<16xi32>
        %lt3A_909 = arith.cmpi slt, %add3A_880, %lt3A_908 : vector<16xi32>
        %select_n3A_910 = arith.select %lt3A_909, %gather3A_47, %gather3A_54 : vector<16xi1>, vector<16xf32>
        %select_n3A_911 = arith.select %lt3A_902, %select_n3A_906, %select_n3A_910 : vector<16xi1>, vector<16xf32>
        %reshape3A_912 = vector.shape_cast %add3A_884 : vector<16xi32> to vector<16x1xi32>
        %gather3A_913 = vector.shape_cast %reshape3A_912 : vector<16x1xi32> to vector<16xi32>
        %gather3A_914 = tpu.dynamic_gather %select_n3A_911[%gather3A_913] in [0] : vector<16xf32>, vector<16xi32> -> vector<16xf32>
        %sub3A_915 = arith.subf %gather3A, %gather3A_899 : vector<16xf32>
        %sub3A_916 = arith.subf %gather3A_33, %gather3A_914 : vector<16xf32>
        %mul3A_917 = arith.mulf %sub3A_915, %sub3A_915 : vector<16xf32>
        %mul3A_918 = arith.mulf %sub3A_916, %sub3A_916 : vector<16xf32>
        %add3A_919 = arith.addf %mul3A_917, %mul3A_918 : vector<16xf32>
        %bitcast_convert_type3A_920 = tpu.bitcast %add3A_919 : vector<16xf32> -> vector<16xi32>
        %shift_right_logical3A_921 = arith.constant 1 : i32
        %shift_right_logical3A_922 = vector.broadcast %shift_right_logical3A_921 : i32 to vector<16xi32>
        %shift_right_logical3A_923 = arith.shrui %bitcast_convert_type3A_920, %shift_right_logical3A_922 : vector<16xi32>
        %sub3A_924 = arith.constant 1597463007 : i32
        %sub3A_925 = vector.broadcast %sub3A_924 : i32 to vector<16xi32>
        %sub3A_926 = arith.subi %sub3A_925, %shift_right_logical3A_923 : vector<16xi32>
        %bitcast_convert_type3A_927 = tpu.bitcast %sub3A_926 : vector<16xi32> -> vector<16xf32>
        %mul3A_928 = arith.constant 5.000000e-01 : f32
        %mul3A_929 = vector.broadcast %mul3A_928 : f32 to vector<16xf32>
        %mul3A_930 = arith.mulf %mul3A_929, %add3A_919 : vector<16xf32>
        %mul3A_931 = arith.mulf %mul3A_930, %bitcast_convert_type3A_927 : vector<16xf32>
        %mul3A_932 = arith.mulf %mul3A_931, %bitcast_convert_type3A_927 : vector<16xf32>
        %sub3A_933 = arith.constant 1.500000e+00 : f32
        %sub3A_934 = vector.broadcast %sub3A_933 : f32 to vector<16xf32>
        %sub3A_935 = arith.subf %sub3A_934, %mul3A_932 : vector<16xf32>
        %mul3A_936 = arith.mulf %bitcast_convert_type3A_927, %sub3A_935 : vector<16xf32>
        %min3A_937 = arith.constant 1.000000e+00 : f32
        %min3A_938 = vector.broadcast %min3A_937 : f32 to vector<16xf32>
        %min3A_939 = arith.minimumf %mul3A_936, %min3A_938 : vector<16xf32>
        %sub3A_940 = arith.subf %gather3A_38, %gather3A_899 : vector<16xf32>
        %sub3A_941 = arith.subf %gather3A_40, %gather3A_914 : vector<16xf32>
        %mul3A_942 = arith.mulf %sub3A_940, %sub3A_940 : vector<16xf32>
        %mul3A_943 = arith.mulf %sub3A_941, %sub3A_941 : vector<16xf32>
        %add3A_944 = arith.addf %mul3A_942, %mul3A_943 : vector<16xf32>
        %bitcast_convert_type3A_945 = tpu.bitcast %add3A_944 : vector<16xf32> -> vector<16xi32>
        %shift_right_logical3A_946 = arith.constant 1 : i32
        %shift_right_logical3A_947 = vector.broadcast %shift_right_logical3A_946 : i32 to vector<16xi32>
        %shift_right_logical3A_948 = arith.shrui %bitcast_convert_type3A_945, %shift_right_logical3A_947 : vector<16xi32>
        %sub3A_949 = arith.constant 1597463007 : i32
        %sub3A_950 = vector.broadcast %sub3A_949 : i32 to vector<16xi32>
        %sub3A_951 = arith.subi %sub3A_950, %shift_right_logical3A_948 : vector<16xi32>
        %bitcast_convert_type3A_952 = tpu.bitcast %sub3A_951 : vector<16xi32> -> vector<16xf32>
        %mul3A_953 = arith.constant 5.000000e-01 : f32
        %mul3A_954 = vector.broadcast %mul3A_953 : f32 to vector<16xf32>
        %mul3A_955 = arith.mulf %mul3A_954, %add3A_944 : vector<16xf32>
        %mul3A_956 = arith.mulf %mul3A_955, %bitcast_convert_type3A_952 : vector<16xf32>
        %mul3A_957 = arith.mulf %mul3A_956, %bitcast_convert_type3A_952 : vector<16xf32>
        %sub3A_958 = arith.constant 1.500000e+00 : f32
        %sub3A_959 = vector.broadcast %sub3A_958 : f32 to vector<16xf32>
        %sub3A_960 = arith.subf %sub3A_959, %mul3A_957 : vector<16xf32>
        %mul3A_961 = arith.mulf %bitcast_convert_type3A_952, %sub3A_960 : vector<16xf32>
        %min3A_962 = arith.constant 1.000000e+00 : f32
        %min3A_963 = vector.broadcast %min3A_962 : f32 to vector<16xf32>
        %min3A_964 = arith.minimumf %mul3A_961, %min3A_963 : vector<16xf32>
        %sub3A_965 = arith.subf %gather3A_45, %gather3A_899 : vector<16xf32>
        %sub3A_966 = arith.subf %gather3A_47, %gather3A_914 : vector<16xf32>
        %mul3A_967 = arith.mulf %sub3A_965, %sub3A_965 : vector<16xf32>
        %mul3A_968 = arith.mulf %sub3A_966, %sub3A_966 : vector<16xf32>
        %add3A_969 = arith.addf %mul3A_967, %mul3A_968 : vector<16xf32>
        %bitcast_convert_type3A_970 = tpu.bitcast %add3A_969 : vector<16xf32> -> vector<16xi32>
        %shift_right_logical3A_971 = arith.constant 1 : i32
        %shift_right_logical3A_972 = vector.broadcast %shift_right_logical3A_971 : i32 to vector<16xi32>
        %shift_right_logical3A_973 = arith.shrui %bitcast_convert_type3A_970, %shift_right_logical3A_972 : vector<16xi32>
        %sub3A_974 = arith.constant 1597463007 : i32
        %sub3A_975 = vector.broadcast %sub3A_974 : i32 to vector<16xi32>
        %sub3A_976 = arith.subi %sub3A_975, %shift_right_logical3A_973 : vector<16xi32>
        %bitcast_convert_type3A_977 = tpu.bitcast %sub3A_976 : vector<16xi32> -> vector<16xf32>
        %mul3A_978 = arith.constant 5.000000e-01 : f32
        %mul3A_979 = vector.broadcast %mul3A_978 : f32 to vector<16xf32>
        %mul3A_980 = arith.mulf %mul3A_979, %add3A_969 : vector<16xf32>
        %mul3A_981 = arith.mulf %mul3A_980, %bitcast_convert_type3A_977 : vector<16xf32>
        %mul3A_982 = arith.mulf %mul3A_981, %bitcast_convert_type3A_977 : vector<16xf32>
        %sub3A_983 = arith.constant 1.500000e+00 : f32
        %sub3A_984 = vector.broadcast %sub3A_983 : f32 to vector<16xf32>
        %sub3A_985 = arith.subf %sub3A_984, %mul3A_982 : vector<16xf32>
        %mul3A_986 = arith.mulf %bitcast_convert_type3A_977, %sub3A_985 : vector<16xf32>
        %min3A_987 = arith.constant 1.000000e+00 : f32
        %min3A_988 = vector.broadcast %min3A_987 : f32 to vector<16xf32>
        %min3A_989 = arith.minimumf %mul3A_986, %min3A_988 : vector<16xf32>
        %sub3A_990 = arith.subf %gather3A_52, %gather3A_899 : vector<16xf32>
        %sub3A_991 = arith.subf %gather3A_54, %gather3A_914 : vector<16xf32>
        %mul3A_992 = arith.mulf %sub3A_990, %sub3A_990 : vector<16xf32>
        %mul3A_993 = arith.mulf %sub3A_991, %sub3A_991 : vector<16xf32>
        %add3A_994 = arith.addf %mul3A_992, %mul3A_993 : vector<16xf32>
        %bitcast_convert_type3A_995 = tpu.bitcast %add3A_994 : vector<16xf32> -> vector<16xi32>
        %shift_right_logical3A_996 = arith.constant 1 : i32
        %shift_right_logical3A_997 = vector.broadcast %shift_right_logical3A_996 : i32 to vector<16xi32>
        %shift_right_logical3A_998 = arith.shrui %bitcast_convert_type3A_995, %shift_right_logical3A_997 : vector<16xi32>
        %sub3A_999 = arith.constant 1597463007 : i32
        %sub3A_1000 = vector.broadcast %sub3A_999 : i32 to vector<16xi32>
        %sub3A_1001 = arith.subi %sub3A_1000, %shift_right_logical3A_998 : vector<16xi32>
        %bitcast_convert_type3A_1002 = tpu.bitcast %sub3A_1001 : vector<16xi32> -> vector<16xf32>
        %mul3A_1003 = arith.constant 5.000000e-01 : f32
        %mul3A_1004 = vector.broadcast %mul3A_1003 : f32 to vector<16xf32>
        %mul3A_1005 = arith.mulf %mul3A_1004, %add3A_994 : vector<16xf32>
        %mul3A_1006 = arith.mulf %mul3A_1005, %bitcast_convert_type3A_1002 : vector<16xf32>
        %mul3A_1007 = arith.mulf %mul3A_1006, %bitcast_convert_type3A_1002 : vector<16xf32>
        %sub3A_1008 = arith.constant 1.500000e+00 : f32
        %sub3A_1009 = vector.broadcast %sub3A_1008 : f32 to vector<16xf32>
        %sub3A_1010 = arith.subf %sub3A_1009, %mul3A_1007 : vector<16xf32>
        %mul3A_1011 = arith.mulf %bitcast_convert_type3A_1002, %sub3A_1010 : vector<16xf32>
        %min3A_1012 = arith.constant 1.000000e+00 : f32
        %min3A_1013 = vector.broadcast %min3A_1012 : f32 to vector<16xf32>
        %min3A_1014 = arith.minimumf %mul3A_1011, %min3A_1013 : vector<16xf32>
        %add3A_1015 = arith.addf %add3A_871, %min3A_939 : vector<16xf32>
        %add3A_1016 = arith.addf %add3A_872, %min3A_964 : vector<16xf32>
        %add3A_1017 = arith.addf %add3A_873, %min3A_989 : vector<16xf32>
        %add3A_1018 = arith.addf %add3A_874, %min3A_1014 : vector<16xf32>
        scf.yield %add3A_1015, %add3A_1016, %add3A_1017, %add3A_1018 : vector<16xf32>, vector<16xf32>, vector<16xf32>, vector<16xf32>
      }
      %scan3A_169 = arith.constant 64 : i32
      %bitcast_convert_type3A_170 = tpu.bitcast %scan3A_168#0 : vector<16xf32> -> vector<16xi32>
      %shift_right_logical3A_171 = arith.constant 1 : i32
      %shift_right_logical3A_172 = vector.broadcast %shift_right_logical3A_171 : i32 to vector<16xi32>
      %shift_right_logical3A_173 = arith.shrui %bitcast_convert_type3A_170, %shift_right_logical3A_172 : vector<16xi32>
      %sub3A_174 = arith.constant 1597463007 : i32
      %sub3A_175 = vector.broadcast %sub3A_174 : i32 to vector<16xi32>
      %sub3A_176 = arith.subi %sub3A_175, %shift_right_logical3A_173 : vector<16xi32>
      %bitcast_convert_type3A_177 = tpu.bitcast %sub3A_176 : vector<16xi32> -> vector<16xf32>
      %mul3A_178 = arith.constant 5.000000e-01 : f32
      %mul3A_179 = vector.broadcast %mul3A_178 : f32 to vector<16xf32>
      %mul3A_180 = arith.mulf %mul3A_179, %scan3A_168#0 : vector<16xf32>
      %mul3A_181 = arith.mulf %mul3A_180, %bitcast_convert_type3A_177 : vector<16xf32>
      %mul3A_182 = arith.mulf %mul3A_181, %bitcast_convert_type3A_177 : vector<16xf32>
      %sub3A_183 = arith.constant 1.500000e+00 : f32
      %sub3A_184 = vector.broadcast %sub3A_183 : f32 to vector<16xf32>
      %sub3A_185 = arith.subf %sub3A_184, %mul3A_182 : vector<16xf32>
      %mul3A_186 = arith.mulf %bitcast_convert_type3A_177, %sub3A_185 : vector<16xf32>
      %mul3A_187 = arith.mulf %mul3A_180, %mul3A_186 : vector<16xf32>
      %mul3A_188 = arith.mulf %mul3A_187, %mul3A_186 : vector<16xf32>
      %sub3A_189 = arith.constant 1.500000e+00 : f32
      %sub3A_190 = vector.broadcast %sub3A_189 : f32 to vector<16xf32>
      %sub3A_191 = arith.subf %sub3A_190, %mul3A_188 : vector<16xf32>
      %mul3A_192 = arith.mulf %mul3A_186, %sub3A_191 : vector<16xf32>
      %bitcast_convert_type3A_193 = tpu.bitcast %scan3A_168#1 : vector<16xf32> -> vector<16xi32>
      %shift_right_logical3A_194 = arith.constant 1 : i32
      %shift_right_logical3A_195 = vector.broadcast %shift_right_logical3A_194 : i32 to vector<16xi32>
      %shift_right_logical3A_196 = arith.shrui %bitcast_convert_type3A_193, %shift_right_logical3A_195 : vector<16xi32>
      %sub3A_197 = arith.constant 1597463007 : i32
      %sub3A_198 = vector.broadcast %sub3A_197 : i32 to vector<16xi32>
      %sub3A_199 = arith.subi %sub3A_198, %shift_right_logical3A_196 : vector<16xi32>
      %bitcast_convert_type3A_200 = tpu.bitcast %sub3A_199 : vector<16xi32> -> vector<16xf32>
      %mul3A_201 = arith.constant 5.000000e-01 : f32
      %mul3A_202 = vector.broadcast %mul3A_201 : f32 to vector<16xf32>
      %mul3A_203 = arith.mulf %mul3A_202, %scan3A_168#1 : vector<16xf32>
      %mul3A_204 = arith.mulf %mul3A_203, %bitcast_convert_type3A_200 : vector<16xf32>
      %mul3A_205 = arith.mulf %mul3A_204, %bitcast_convert_type3A_200 : vector<16xf32>
      %sub3A_206 = arith.constant 1.500000e+00 : f32
      %sub3A_207 = vector.broadcast %sub3A_206 : f32 to vector<16xf32>
      %sub3A_208 = arith.subf %sub3A_207, %mul3A_205 : vector<16xf32>
      %mul3A_209 = arith.mulf %bitcast_convert_type3A_200, %sub3A_208 : vector<16xf32>
      %mul3A_210 = arith.mulf %mul3A_203, %mul3A_209 : vector<16xf32>
      %mul3A_211 = arith.mulf %mul3A_210, %mul3A_209 : vector<16xf32>
      %sub3A_212 = arith.constant 1.500000e+00 : f32
      %sub3A_213 = vector.broadcast %sub3A_212 : f32 to vector<16xf32>
      %sub3A_214 = arith.subf %sub3A_213, %mul3A_211 : vector<16xf32>
      %mul3A_215 = arith.mulf %mul3A_209, %sub3A_214 : vector<16xf32>
      %bitcast_convert_type3A_216 = tpu.bitcast %scan3A_168#2 : vector<16xf32> -> vector<16xi32>
      %shift_right_logical3A_217 = arith.constant 1 : i32
      %shift_right_logical3A_218 = vector.broadcast %shift_right_logical3A_217 : i32 to vector<16xi32>
      %shift_right_logical3A_219 = arith.shrui %bitcast_convert_type3A_216, %shift_right_logical3A_218 : vector<16xi32>
      %sub3A_220 = arith.constant 1597463007 : i32
      %sub3A_221 = vector.broadcast %sub3A_220 : i32 to vector<16xi32>
      %sub3A_222 = arith.subi %sub3A_221, %shift_right_logical3A_219 : vector<16xi32>
      %bitcast_convert_type3A_223 = tpu.bitcast %sub3A_222 : vector<16xi32> -> vector<16xf32>
      %mul3A_224 = arith.constant 5.000000e-01 : f32
      %mul3A_225 = vector.broadcast %mul3A_224 : f32 to vector<16xf32>
      %mul3A_226 = arith.mulf %mul3A_225, %scan3A_168#2 : vector<16xf32>
      %mul3A_227 = arith.mulf %mul3A_226, %bitcast_convert_type3A_223 : vector<16xf32>
      %mul3A_228 = arith.mulf %mul3A_227, %bitcast_convert_type3A_223 : vector<16xf32>
      %sub3A_229 = arith.constant 1.500000e+00 : f32
      %sub3A_230 = vector.broadcast %sub3A_229 : f32 to vector<16xf32>
      %sub3A_231 = arith.subf %sub3A_230, %mul3A_228 : vector<16xf32>
      %mul3A_232 = arith.mulf %bitcast_convert_type3A_223, %sub3A_231 : vector<16xf32>
      %mul3A_233 = arith.mulf %mul3A_226, %mul3A_232 : vector<16xf32>
      %mul3A_234 = arith.mulf %mul3A_233, %mul3A_232 : vector<16xf32>
      %sub3A_235 = arith.constant 1.500000e+00 : f32
      %sub3A_236 = vector.broadcast %sub3A_235 : f32 to vector<16xf32>
      %sub3A_237 = arith.subf %sub3A_236, %mul3A_234 : vector<16xf32>
      %mul3A_238 = arith.mulf %mul3A_232, %sub3A_237 : vector<16xf32>
      %bitcast_convert_type3A_239 = tpu.bitcast %scan3A_168#3 : vector<16xf32> -> vector<16xi32>
      %shift_right_logical3A_240 = arith.constant 1 : i32
      %shift_right_logical3A_241 = vector.broadcast %shift_right_logical3A_240 : i32 to vector<16xi32>
      %shift_right_logical3A_242 = arith.shrui %bitcast_convert_type3A_239, %shift_right_logical3A_241 : vector<16xi32>
      %sub3A_243 = arith.constant 1597463007 : i32
      %sub3A_244 = vector.broadcast %sub3A_243 : i32 to vector<16xi32>
      %sub3A_245 = arith.subi %sub3A_244, %shift_right_logical3A_242 : vector<16xi32>
      %bitcast_convert_type3A_246 = tpu.bitcast %sub3A_245 : vector<16xi32> -> vector<16xf32>
      %mul3A_247 = arith.constant 5.000000e-01 : f32
      %mul3A_248 = vector.broadcast %mul3A_247 : f32 to vector<16xf32>
      %mul3A_249 = arith.mulf %mul3A_248, %scan3A_168#3 : vector<16xf32>
      %mul3A_250 = arith.mulf %mul3A_249, %bitcast_convert_type3A_246 : vector<16xf32>
      %mul3A_251 = arith.mulf %mul3A_250, %bitcast_convert_type3A_246 : vector<16xf32>
      %sub3A_252 = arith.constant 1.500000e+00 : f32
      %sub3A_253 = vector.broadcast %sub3A_252 : f32 to vector<16xf32>
      %sub3A_254 = arith.subf %sub3A_253, %mul3A_251 : vector<16xf32>
      %mul3A_255 = arith.mulf %bitcast_convert_type3A_246, %sub3A_254 : vector<16xf32>
      %mul3A_256 = arith.mulf %mul3A_249, %mul3A_255 : vector<16xf32>
      %mul3A_257 = arith.mulf %mul3A_256, %mul3A_255 : vector<16xf32>
      %sub3A_258 = arith.constant 1.500000e+00 : f32
      %sub3A_259 = vector.broadcast %sub3A_258 : f32 to vector<16xf32>
      %sub3A_260 = arith.subf %sub3A_259, %mul3A_257 : vector<16xf32>
      %mul3A_261 = arith.mulf %mul3A_255, %sub3A_260 : vector<16xf32>
      %mul3A_262 = arith.mulf %min3A_88, %mul3A_192 : vector<16xf32>
      %mul3A_263 = arith.mulf %min3A_113, %mul3A_215 : vector<16xf32>
      %mul3A_264 = arith.mulf %min3A_138, %mul3A_238 : vector<16xf32>
      %mul3A_265 = arith.mulf %min3A_163, %mul3A_261 : vector<16xf32>
      %mul3A_266 = arith.mulf %mul3A_262, %gather3A : vector<16xf32>
      %mul3A_267 = arith.mulf %mul3A_263, %gather3A_38 : vector<16xf32>
      %add3A_268 = arith.addf %mul3A_266, %mul3A_267 : vector<16xf32>
      %mul3A_269 = arith.mulf %mul3A_264, %gather3A_45 : vector<16xf32>
      %add3A_270 = arith.addf %add3A_268, %mul3A_269 : vector<16xf32>
      %mul3A_271 = arith.mulf %mul3A_265, %gather3A_52 : vector<16xf32>
      %add3A_272 = arith.addf %add3A_270, %mul3A_271 : vector<16xf32>
      %mul3A_273 = arith.mulf %mul3A_262, %gather3A_33 : vector<16xf32>
      %mul3A_274 = arith.mulf %mul3A_263, %gather3A_40 : vector<16xf32>
      %add3A_275 = arith.addf %mul3A_273, %mul3A_274 : vector<16xf32>
      %mul3A_276 = arith.mulf %mul3A_264, %gather3A_47 : vector<16xf32>
      %add3A_277 = arith.addf %add3A_275, %mul3A_276 : vector<16xf32>
      %mul3A_278 = arith.mulf %mul3A_265, %gather3A_54 : vector<16xf32>
      %add3A_279 = arith.addf %add3A_277, %mul3A_278 : vector<16xf32>
      %xor3A = arith.constant 8 : i32
      %xor3A_280 = vector.broadcast %xor3A : i32 to vector<16xi32>
      %xor3A_281 = arith.xori %iota3A, %xor3A_280 : vector<16xi32>
      %reshape3A_282 = vector.shape_cast %xor3A_281 : vector<16xi32> to vector<16x1xi32>
      %gather3A_283 = vector.shape_cast %reshape3A_282 : vector<16x1xi32> to vector<16xi32>
      %gather3A_284 = tpu.dynamic_gather %add3A_272[%gather3A_283] in [0] : vector<16xf32>, vector<16xi32> -> vector<16xf32>
      %add3A_285 = arith.addf %add3A_272, %gather3A_284 : vector<16xf32>
      %reshape3A_286 = vector.shape_cast %xor3A_281 : vector<16xi32> to vector<16x1xi32>
      %gather3A_287 = vector.shape_cast %reshape3A_286 : vector<16x1xi32> to vector<16xi32>
      %gather3A_288 = tpu.dynamic_gather %add3A_279[%gather3A_287] in [0] : vector<16xf32>, vector<16xi32> -> vector<16xf32>
      %add3A_289 = arith.addf %add3A_279, %gather3A_288 : vector<16xf32>
      %xor3A_290 = arith.constant 4 : i32
      %xor3A_291 = vector.broadcast %xor3A_290 : i32 to vector<16xi32>
      %xor3A_292 = arith.xori %iota3A, %xor3A_291 : vector<16xi32>
      %reshape3A_293 = vector.shape_cast %xor3A_292 : vector<16xi32> to vector<16x1xi32>
      %gather3A_294 = vector.shape_cast %reshape3A_293 : vector<16x1xi32> to vector<16xi32>
      %gather3A_295 = tpu.dynamic_gather %add3A_285[%gather3A_294] in [0] : vector<16xf32>, vector<16xi32> -> vector<16xf32>
      %add3A_296 = arith.addf %add3A_285, %gather3A_295 : vector<16xf32>
      %reshape3A_297 = vector.shape_cast %xor3A_292 : vector<16xi32> to vector<16x1xi32>
      %gather3A_298 = vector.shape_cast %reshape3A_297 : vector<16x1xi32> to vector<16xi32>
      %gather3A_299 = tpu.dynamic_gather %add3A_289[%gather3A_298] in [0] : vector<16xf32>, vector<16xi32> -> vector<16xf32>
      %add3A_300 = arith.addf %add3A_289, %gather3A_299 : vector<16xf32>
      %xor3A_301 = arith.constant 2 : i32
      %xor3A_302 = vector.broadcast %xor3A_301 : i32 to vector<16xi32>
      %xor3A_303 = arith.xori %iota3A, %xor3A_302 : vector<16xi32>
      %reshape3A_304 = vector.shape_cast %xor3A_303 : vector<16xi32> to vector<16x1xi32>
      %gather3A_305 = vector.shape_cast %reshape3A_304 : vector<16x1xi32> to vector<16xi32>
      %gather3A_306 = tpu.dynamic_gather %add3A_296[%gather3A_305] in [0] : vector<16xf32>, vector<16xi32> -> vector<16xf32>
      %add3A_307 = arith.addf %add3A_296, %gather3A_306 : vector<16xf32>
      %reshape3A_308 = vector.shape_cast %xor3A_303 : vector<16xi32> to vector<16x1xi32>
      %gather3A_309 = vector.shape_cast %reshape3A_308 : vector<16x1xi32> to vector<16xi32>
      %gather3A_310 = tpu.dynamic_gather %add3A_300[%gather3A_309] in [0] : vector<16xf32>, vector<16xi32> -> vector<16xf32>
      %add3A_311 = arith.addf %add3A_300, %gather3A_310 : vector<16xf32>
      %xor3A_312 = arith.constant 1 : i32
      %xor3A_313 = vector.broadcast %xor3A_312 : i32 to vector<16xi32>
      %xor3A_314 = arith.xori %iota3A, %xor3A_313 : vector<16xi32>
      %reshape3A_315 = vector.shape_cast %xor3A_314 : vector<16xi32> to vector<16x1xi32>
      %gather3A_316 = vector.shape_cast %reshape3A_315 : vector<16x1xi32> to vector<16xi32>
      %gather3A_317 = tpu.dynamic_gather %add3A_307[%gather3A_316] in [0] : vector<16xf32>, vector<16xi32> -> vector<16xf32>
      %add3A_318 = arith.addf %add3A_307, %gather3A_317 : vector<16xf32>
      %reshape3A_319 = vector.shape_cast %xor3A_314 : vector<16xi32> to vector<16x1xi32>
      %gather3A_320 = vector.shape_cast %reshape3A_319 : vector<16x1xi32> to vector<16xi32>
      %gather3A_321 = tpu.dynamic_gather %add3A_311[%gather3A_320] in [0] : vector<16xf32>, vector<16xi32> -> vector<16xf32>
      %add3A_322 = arith.addf %add3A_311, %gather3A_321 : vector<16xf32>
      %add3A_323 = arith.constant 0 : i32
      %add3A_324 = vector.broadcast %add3A_323 : i32 to vector<16xi32>
      %add3A_325 = arith.addi %sub3A, %add3A_324 : vector<16xi32>
      %reshape3A_326 = vector.shape_cast %add3A_325 : vector<16xi32> to vector<16x1xi32>
      %gather3A_327 = vector.shape_cast %reshape3A_326 : vector<16x1xi32> to vector<16xi32>
      %gather3A_328 = tpu.dynamic_gather %mul3A_192[%gather3A_327] in [0] : vector<16xf32>, vector<16xi32> -> vector<16xf32>
      %add3A_329 = arith.constant 0 : i32
      %add3A_330 = vector.broadcast %add3A_329 : i32 to vector<16xi32>
      %add3A_331 = arith.addi %sub3A, %add3A_330 : vector<16xi32>
      %reshape3A_332 = vector.shape_cast %add3A_331 : vector<16xi32> to vector<16x1xi32>
      %gather3A_333 = vector.shape_cast %reshape3A_332 : vector<16x1xi32> to vector<16xi32>
      %gather3A_334 = tpu.dynamic_gather %gather3A[%gather3A_333] in [0] : vector<16xf32>, vector<16xi32> -> vector<16xf32>
      %add3A_335 = arith.constant 0 : i32
      %add3A_336 = vector.broadcast %add3A_335 : i32 to vector<16xi32>
      %add3A_337 = arith.addi %sub3A, %add3A_336 : vector<16xi32>
      %reshape3A_338 = vector.shape_cast %add3A_337 : vector<16xi32> to vector<16x1xi32>
      %gather3A_339 = vector.shape_cast %reshape3A_338 : vector<16x1xi32> to vector<16xi32>
      %gather3A_340 = tpu.dynamic_gather %gather3A_33[%gather3A_339] in [0] : vector<16xf32>, vector<16xi32> -> vector<16xf32>
      %add3A_341 = arith.constant 0 : i32
      %add3A_342 = vector.broadcast %add3A_341 : i32 to vector<16xi32>
      %add3A_343 = arith.addi %shift_left3A_18, %add3A_342 : vector<16xi32>
      %gather3A_344 = tpu.vector_load_idx %arg8[%add3A_343] : memref<128xf32, #tpu.memory_space<vmem>>[vector<16xi32>], vector<16xf32>,
      %add3A_345 = arith.addi %add3A_343, %add3A_8 : vector<16xi32>
      %gather3A_346 = tpu.vector_load_idx %arg8[%add3A_345] : memref<128xf32, #tpu.memory_space<vmem>>[vector<16xi32>], vector<16xf32>,
      %gather3A_347 = tpu.vector_load_idx %arg9[%add3A_343] : memref<128xf32, #tpu.memory_space<vmem>>[vector<16xi32>], vector<16xf32>,
      %add3A_348 = arith.addi %add3A_343, %add3A_8 : vector<16xi32>
      %gather3A_349 = tpu.vector_load_idx %arg9[%add3A_348] : memref<128xf32, #tpu.memory_space<vmem>>[vector<16xi32>], vector<16xf32>,
      %get3A = arith.constant 0 : index
      %get3A_350 = tpu.vector_load %arg10[%get3A] {strides = array<i32>} : memref<64xf32, #tpu.memory_space<vmem>>, vector<16xf32>,
      %mul3A_351 = arith.mulf %add3A_318, %gather3A_344 : vector<16xf32>
      %mul3A_352 = arith.mulf %add3A_322, %gather3A_346 : vector<16xf32>
      %add3A_353 = arith.addf %mul3A_351, %mul3A_352 : vector<16xf32>
      %mul3A_354 = arith.mulf %gather3A_328, %add3A_353 : vector<16xf32>
      %add3A_355 = arith.addf %mul3A_354, %get3A_350 : vector<16xf32>
      %mul3A_356 = arith.mulf %gather3A_334, %gather3A_347 : vector<16xf32>
      %add3A_357 = arith.addf %add3A_355, %mul3A_356 : vector<16xf32>
      %mul3A_358 = arith.mulf %gather3A_340, %gather3A_349 : vector<16xf32>
      %add3A_359 = arith.addf %add3A_357, %mul3A_358 : vector<16xf32>
      %max3A = arith.constant 0.000000e+00 : f32
      %max3A_360 = vector.broadcast %max3A : f32 to vector<16xf32>
      %max3A_361 = arith.maximumf %add3A_359, %max3A_360 : vector<16xf32>
      %swap3A = arith.index_cast %scan3A_24 : i32 to index
      %swap3A_362 = arith.constant 0 : index
      %swap3A_363 = tpu.vector_load %arg11[%swap3A, %swap3A_362] {strides = array<i32>} : memref<8x64xf32, #tpu.memory_space<vmem>>, vector<16xf32>,
      tpu.vector_store %arg11[%swap3A, %swap3A_362], %max3A_361 {strides = array<i32>} : memref<8x64xf32, #tpu.memory_space<vmem>>, vector<16xf32>,
      %add3A_364 = arith.constant 32 : i32
      %add3A_365 = vector.broadcast %add3A_364 : i32 to vector<16xi32>
      %add3A_366 = arith.addi %shift_left3A_18, %add3A_365 : vector<16xi32>
      %gather3A_367 = tpu.vector_load_idx %arg8[%add3A_366] : memref<128xf32, #tpu.memory_space<vmem>>[vector<16xi32>], vector<16xf32>,
      %add3A_368 = arith.addi %add3A_366, %add3A_8 : vector<16xi32>
      %gather3A_369 = tpu.vector_load_idx %arg8[%add3A_368] : memref<128xf32, #tpu.memory_space<vmem>>[vector<16xi32>], vector<16xf32>,
      %gather3A_370 = tpu.vector_load_idx %arg9[%add3A_366] : memref<128xf32, #tpu.memory_space<vmem>>[vector<16xi32>], vector<16xf32>,
      %add3A_371 = arith.addi %add3A_366, %add3A_8 : vector<16xi32>
      %gather3A_372 = tpu.vector_load_idx %arg9[%add3A_371] : memref<128xf32, #tpu.memory_space<vmem>>[vector<16xi32>], vector<16xf32>,
      %get3A_373 = arith.constant 16 : index
      %get3A_374 = tpu.vector_load %arg10[%get3A_373] {strides = array<i32>} : memref<64xf32, #tpu.memory_space<vmem>>, vector<16xf32>,
      %mul3A_375 = arith.mulf %add3A_318, %gather3A_367 : vector<16xf32>
      %mul3A_376 = arith.mulf %add3A_322, %gather3A_369 : vector<16xf32>
      %add3A_377 = arith.addf %mul3A_375, %mul3A_376 : vector<16xf32>
      %mul3A_378 = arith.mulf %gather3A_328, %add3A_377 : vector<16xf32>
      %add3A_379 = arith.addf %mul3A_378, %get3A_374 : vector<16xf32>
      %mul3A_380 = arith.mulf %gather3A_334, %gather3A_370 : vector<16xf32>
      %add3A_381 = arith.addf %add3A_379, %mul3A_380 : vector<16xf32>
      %mul3A_382 = arith.mulf %gather3A_340, %gather3A_372 : vector<16xf32>
      %add3A_383 = arith.addf %add3A_381, %mul3A_382 : vector<16xf32>
      %max3A_384 = arith.constant 0.000000e+00 : f32
      %max3A_385 = vector.broadcast %max3A_384 : f32 to vector<16xf32>
      %max3A_386 = arith.maximumf %add3A_383, %max3A_385 : vector<16xf32>
      %swap3A_387 = arith.index_cast %scan3A_24 : i32 to index
      %swap3A_388 = arith.constant 16 : index
      %swap3A_389 = tpu.vector_load %arg11[%swap3A_387, %swap3A_388] {strides = array<i32>} : memref<8x64xf32, #tpu.memory_space<vmem>>, vector<16xf32>,
      tpu.vector_store %arg11[%swap3A_387, %swap3A_388], %max3A_386 {strides = array<i32>} : memref<8x64xf32, #tpu.memory_space<vmem>>, vector<16xf32>,
      %add3A_390 = arith.constant 64 : i32
      %add3A_391 = vector.broadcast %add3A_390 : i32 to vector<16xi32>
      %add3A_392 = arith.addi %shift_left3A_18, %add3A_391 : vector<16xi32>
      %gather3A_393 = tpu.vector_load_idx %arg8[%add3A_392] : memref<128xf32, #tpu.memory_space<vmem>>[vector<16xi32>], vector<16xf32>,
      %add3A_394 = arith.addi %add3A_392, %add3A_8 : vector<16xi32>
      %gather3A_395 = tpu.vector_load_idx %arg8[%add3A_394] : memref<128xf32, #tpu.memory_space<vmem>>[vector<16xi32>], vector<16xf32>,
      %gather3A_396 = tpu.vector_load_idx %arg9[%add3A_392] : memref<128xf32, #tpu.memory_space<vmem>>[vector<16xi32>], vector<16xf32>,
      %add3A_397 = arith.addi %add3A_392, %add3A_8 : vector<16xi32>
      %gather3A_398 = tpu.vector_load_idx %arg9[%add3A_397] : memref<128xf32, #tpu.memory_space<vmem>>[vector<16xi32>], vector<16xf32>,
      %get3A_399 = arith.constant 32 : index
      %get3A_400 = tpu.vector_load %arg10[%get3A_399] {strides = array<i32>} : memref<64xf32, #tpu.memory_space<vmem>>, vector<16xf32>,
      %mul3A_401 = arith.mulf %add3A_318, %gather3A_393 : vector<16xf32>
      %mul3A_402 = arith.mulf %add3A_322, %gather3A_395 : vector<16xf32>
      %add3A_403 = arith.addf %mul3A_401, %mul3A_402 : vector<16xf32>
      %mul3A_404 = arith.mulf %gather3A_328, %add3A_403 : vector<16xf32>
      %add3A_405 = arith.addf %mul3A_404, %get3A_400 : vector<16xf32>
      %mul3A_406 = arith.mulf %gather3A_334, %gather3A_396 : vector<16xf32>
      %add3A_407 = arith.addf %add3A_405, %mul3A_406 : vector<16xf32>
      %mul3A_408 = arith.mulf %gather3A_340, %gather3A_398 : vector<16xf32>
      %add3A_409 = arith.addf %add3A_407, %mul3A_408 : vector<16xf32>
      %max3A_410 = arith.constant 0.000000e+00 : f32
      %max3A_411 = vector.broadcast %max3A_410 : f32 to vector<16xf32>
      %max3A_412 = arith.maximumf %add3A_409, %max3A_411 : vector<16xf32>
      %swap3A_413 = arith.index_cast %scan3A_24 : i32 to index
      %swap3A_414 = arith.constant 32 : index
      %swap3A_415 = tpu.vector_load %arg11[%swap3A_413, %swap3A_414] {strides = array<i32>} : memref<8x64xf32, #tpu.memory_space<vmem>>, vector<16xf32>,
      tpu.vector_store %arg11[%swap3A_413, %swap3A_414], %max3A_412 {strides = array<i32>} : memref<8x64xf32, #tpu.memory_space<vmem>>, vector<16xf32>,
      %add3A_416 = arith.constant 96 : i32
      %add3A_417 = vector.broadcast %add3A_416 : i32 to vector<16xi32>
      %add3A_418 = arith.addi %shift_left3A_18, %add3A_417 : vector<16xi32>
      %gather3A_419 = tpu.vector_load_idx %arg8[%add3A_418] : memref<128xf32, #tpu.memory_space<vmem>>[vector<16xi32>], vector<16xf32>,
      %add3A_420 = arith.addi %add3A_418, %add3A_8 : vector<16xi32>
      %gather3A_421 = tpu.vector_load_idx %arg8[%add3A_420] : memref<128xf32, #tpu.memory_space<vmem>>[vector<16xi32>], vector<16xf32>,
      %gather3A_422 = tpu.vector_load_idx %arg9[%add3A_418] : memref<128xf32, #tpu.memory_space<vmem>>[vector<16xi32>], vector<16xf32>,
      %add3A_423 = arith.addi %add3A_418, %add3A_8 : vector<16xi32>
      %gather3A_424 = tpu.vector_load_idx %arg9[%add3A_423] : memref<128xf32, #tpu.memory_space<vmem>>[vector<16xi32>], vector<16xf32>,
      %get3A_425 = arith.constant 48 : index
      %get3A_426 = tpu.vector_load %arg10[%get3A_425] {strides = array<i32>} : memref<64xf32, #tpu.memory_space<vmem>>, vector<16xf32>,
      %mul3A_427 = arith.mulf %add3A_318, %gather3A_419 : vector<16xf32>
      %mul3A_428 = arith.mulf %add3A_322, %gather3A_421 : vector<16xf32>
      %add3A_429 = arith.addf %mul3A_427, %mul3A_428 : vector<16xf32>
      %mul3A_430 = arith.mulf %gather3A_328, %add3A_429 : vector<16xf32>
      %add3A_431 = arith.addf %mul3A_430, %get3A_426 : vector<16xf32>
      %mul3A_432 = arith.mulf %gather3A_334, %gather3A_422 : vector<16xf32>
      %add3A_433 = arith.addf %add3A_431, %mul3A_432 : vector<16xf32>
      %mul3A_434 = arith.mulf %gather3A_340, %gather3A_424 : vector<16xf32>
      %add3A_435 = arith.addf %add3A_433, %mul3A_434 : vector<16xf32>
      %max3A_436 = arith.constant 0.000000e+00 : f32
      %max3A_437 = vector.broadcast %max3A_436 : f32 to vector<16xf32>
      %max3A_438 = arith.maximumf %add3A_435, %max3A_437 : vector<16xf32>
      %swap3A_439 = arith.index_cast %scan3A_24 : i32 to index
      %swap3A_440 = arith.constant 48 : index
      %swap3A_441 = tpu.vector_load %arg11[%swap3A_439, %swap3A_440] {strides = array<i32>} : memref<8x64xf32, #tpu.memory_space<vmem>>, vector<16xf32>,
      tpu.vector_store %arg11[%swap3A_439, %swap3A_440], %max3A_438 {strides = array<i32>} : memref<8x64xf32, #tpu.memory_space<vmem>>, vector<16xf32>,
    }
    %scan3A_23 = arith.constant 8 : i32
    "tpu.region"() ({
      %run_scoped3A = tpu.sem_alloc : memref<!tpu.dma_semaphore, #tpu.memory_space<semaphore_mem>>
      %dma_start3A_24 = arith.constant 0 : i32
      %dma_start3A_25 = tpu.memref_slice %arg6[%mul3A_2, %dma_start3A_24] : memref<256x64xf32, #tpu.memory_space<hbm>> -> memref<8x64xf32, #tpu.memory_space<hbm>>
      %dma_start3A_26 = arith.constant 0 : i32
      %dma_start3A_27 = tpu.memref_slice %arg6[%mul3A_2, %dma_start3A_26] : memref<256x64xf32, #tpu.memory_space<hbm>> -> memref<8x64xf32, #tpu.memory_space<hbm>>
      tpu.enqueue_dma source(%arg11 : memref<8x64xf32, #tpu.memory_space<vmem>>) target(%dma_start3A_27 : memref<8x64xf32, #tpu.memory_space<hbm>>) target_semaphore(%run_scoped3A : memref<!tpu.dma_semaphore, #tpu.memory_space<semaphore_mem>>)
      %dma_wait3A_28 = arith.constant 0 : i32
      %dma_wait3A_29 = tpu.memref_slice %arg6[%mul3A_2, %dma_wait3A_28] : memref<256x64xf32, #tpu.memory_space<hbm>> -> memref<8x64xf32, #tpu.memory_space<hbm>>
      %dma_wait3A_30 = arith.constant 0 : i32
      %dma_wait3A_31 = tpu.memref_slice %arg6[%mul3A_2, %dma_wait3A_30] : memref<256x64xf32, #tpu.memory_space<hbm>> -> memref<8x64xf32, #tpu.memory_space<hbm>>
      tpu.wait_dma2 semaphore(%run_scoped3A : memref<!tpu.dma_semaphore, #tpu.memory_space<semaphore_mem>>) src(%arg11 : memref<8x64xf32, #tpu.memory_space<vmem>>) dst(%dma_wait3A_31 : memref<8x64xf32, #tpu.memory_space<hbm>>)
      tpu.yield
    }) : () -> ()
    return
  }
}

</mosaic_0001>

<sc_bundles>
// kernel: _encode.3.cloned.1.call-start
scs
__scs_entry_jumppad:
0x0: {  	(pc) =	sbr.rel $0x88, $3  }
0x1: {  	(tag) =	ssettag $0x0;
	lr =	simm.s32 $0x1  }
0x2: {  	[smem:$0x3F9D] =	sst lr;
	_ =	strace $0xD0000000  }
0x3: {  	_ = 	snop  }
0x4: {  	_ = 	snop  }
0x5: {  	_ = 	snop  }
0x6: {  	_ = 	snop  }
0x7: {  	_ = 	snop  }
__scs_overlays_trampoline_lowered:
0x8: {  	[smem:$0x3FAC] =	sst s0  }
0x9: {  	[smem:$0x3FAD] =	sst s1  }
0xa: {  	[smem:$0x3FAE] =	sst s2  }
0xb: {  	[smem:$0x3FAF] =	sst s3  }
0xc: {  	[smem:$0x3FB0] =	sst s4  }
0xd: {  	[smem:$0x3FB1] =	sst s5  }
0xe: {  	[smem:$0x3FB2] =	sst s6  }
0xf: {  	[smem:$0x3FB3] =	sst s7  }
0x10: {  	[smem:$0x3FB4] =	sst s8  }
0x11: {  	[smem:$0x3FB5] =	sst s9;
	s0 =	simm.s32 @!p0 $0x0  }
0x12: {  	s1 =	sld [smem:$0x3F9B];
	s0 =	simm.s32 @p0 $0x1  }
0x13: {  	[smem:$0x3FB6] =	sst s0;
	s0 =	simm.s32 @!p1 $0x0  }
0x14: {  	s2 =	sld [smem:$0x3F9A];
	s0 =	simm.s32 @p1 $0x1  }
0x15: {  	[smem:$0x3FB7] =	sst s0;
	s0 =	simm.s32 @!p2 $0x0  }
0x16: {  	s3 =	sld [smem:$0x3FDB];
	s0 =	simm.s32 @p2 $0x1  }
0x17: {  	s4 =	simm.s32 $0x1BF5;
	[smem:$0x3FB9] =	sst s0  }
0x18: {  	s0 =	sld [smem:$0x3F9C];
	_ =	swait.ge [sflag:s4], $0x0  }
0x19: {  	s7 =	sld [smem:$0x3F9D]  }
0x1a: {  	s8 =	sadd.s32 $0xFFFFE003, lr  }
0x1b: {  	s9 =	sadd.s32 $0xFFFFFEF7, lr;
	s5 =	simm.s32 $0xFFFFFFFF;
	p2 =	slt.u32 s8, $0xFFFFF086  }
0x1c: {  	p1 =	slt.u32 s9, $0xF7A;
	s5 =	simm.s32 @!p2 $0x0  }
0x1d: {  	s5 =	simm.s32 @p1 $0x1;
	p0 =	seq.s32 s7, s2  }
0x1e: {  	s7 =	smul.u32 @!p0 $0xF7A, s2;
	p2 =	seq.s32 @!p0 s5, $0x0  }
0x1f: {  	s9 =	smul.u32 $0xF7A, s1;
	s8 =	simm.s32 @!p0 $0x1BF5;
	p2 =	por !p2, p0  }
0x20: {  	[sflag:s8] =	ssyncset.s32 @!p0 $0xFFFFF086;
	s6 =	sadd.s32 @!p0 s3, s7;
	s7 =	simm.s32 @!p0 $0x108  }
0x21: {  	s3 =	sadd.s32 s3, s9;
	s6 =	sadd.s32 @!p0 $0x88, s6;
	s7 =	simm.s32 @p2 $0x1082  }
0x22: {  	[simem:s7], [sflag:s8] =	dma.local @!p0 [hbm:s6], $0xF7A  }
0x23: {  	s9 =	sor.u32 $0xD0000000, s2;
	s6 =	simm.s32 $0x108;
	_ =	swait.ge @!p0 [sflag:s8], $0x0  }
0x24: {  	s3 =	sadd.s32 $0x88, s3;
	s6 =	simm.s32 @!p1 $0x1082;
	[sflag:s4] =	ssyncset.s32 $0xFFFFF086  }
0x25: {  	[simem:s6], [sflag:s4] =	dma.local [hbm:s3], $0xF7A  }
0x26: {  	[smem:$0x3F9D] =	sst s1;
	(tag) =	ssettag s2;
	_ =	strace s9  }
0x27: {  	s1 =	sld [smem:$0x3FAD]  }
0x28: {  	s2 =	sld [smem:$0x3FAE]  }
0x29: {  	s4 =	sld [smem:$0x3FB0]  }
0x2a: {  	p0 =	seq.s32 s5, $0x0;
	s5 =	sld [smem:$0x3FB1]  }
0x2b: {  	s6 =	sld [smem:$0x3FB2]  }
0x2c: {  	s7 =	sld [smem:$0x3FB3]  }
0x2d: {  	s3 =	simm.s32 $0x108;
	s8 =	sld [smem:$0x3FB4]  }
0x2e: {  	s3 =	simm.s32 @!p0 $0x1082;
	s9 =	sld [smem:$0x3FB5]  }
0x2f: {  	lr =	sadd.s32 s0, s3;
	s0 =	sld [smem:$0x3FAC]  }
0x30: {  	s3 =	sld [smem:$0x3FAF]  }
0x31: {  	[smem:$0x3FB8] =	sst s10  }
0x32: {  	s10 =	sld [smem:$0x3FB6];
	_ =	sdelay $0x3  }
0x33: {  	p0 =	seq.s32 s10, $0x1;
	s10 =	sld [smem:$0x3FB8];
	_ =	sdelay $0x3  }
0x34: {  	[smem:$0x3FB8] =	sst s10  }
0x35: {  	s10 =	sld [smem:$0x3FB7];
	_ =	sdelay $0x3  }
0x36: {  	p1 =	seq.s32 s10, $0x1;
	s10 =	sld [smem:$0x3FB8];
	_ =	sdelay $0x3  }
0x37: {  	[smem:$0x3FB8] =	sst s10  }
0x38: {  	s10 =	sld [smem:$0x3FB9]  }
0x39: {  	_ = 	snop;
	(pc) =	sbr.ind lr, $3  }
0x3a: {  	_ = 	snop  }
0x3b: {  	_ = 	snop  }
0x3c: {  	p2 =	seq.s32 s10, $0x1;
	s10 =	sld [smem:$0x3FB8]  }
0x3d: {  	_ =	shalt  }
0x3e: {  	_ =	shalt  }
0x3f: {  	_ =	shalt  }
0x40: {  	_ =	shalt  }
0x41: {  	_ =	shalt  }
0x42: {  	_ =	shalt  }
0x43: {  	_ =	shalt  }
0x44: {  	_ =	shalt  }
0x45: {  	_ =	shalt  }
0x46: {  	_ =	shalt  }
0x47: {  	_ =	shalt  }
0x48: {  	_ =	shalt  }
0x49: {  	_ =	shalt  }
0x4a: {  	_ =	shalt  }
0x4b: {  	_ =	shalt  }
0x4c: {  	_ =	shalt  }
0x4d: {  	_ =	shalt  }
0x4e: {  	_ =	shalt  }
0x4f: {  	_ =	shalt  }
0x50: {  	_ =	shalt  }
0x51: {  	_ =	shalt  }
0x52: {  	_ =	shalt  }
0x53: {  	_ =	shalt  }
0x54: {  	_ =	shalt  }
0x55: {  	_ =	shalt  }
0x56: {  	_ =	shalt  }
0x57: {  	_ =	shalt  }
0x58: {  	_ =	shalt  }
0x59: {  	_ =	shalt  }
0x5a: {  	_ =	shalt  }
0x5b: {  	_ =	shalt  }
0x5c: {  	_ =	shalt  }
0x5d: {  	_ =	shalt  }
0x5e: {  	_ =	shalt  }
0x5f: {  	_ =	shalt  }
0x60: {  	_ =	shalt  }
0x61: {  	_ =	shalt  }
0x62: {  	_ =	shalt  }
0x63: {  	_ =	shalt  }
0x64: {  	_ =	shalt  }
0x65: {  	_ =	shalt  }
0x66: {  	_ =	shalt  }
0x67: {  	_ =	shalt  }
0x68: {  	_ =	shalt  }
0x69: {  	_ =	shalt  }
0x6a: {  	_ =	shalt  }
0x6b: {  	_ =	shalt  }
0x6c: {  	_ =	shalt  }
0x6d: {  	_ =	shalt  }
0x6e: {  	_ =	shalt  }
0x6f: {  	_ =	shalt  }
0x70: {  	_ =	shalt  }
0x71: {  	_ =	shalt  }
0x72: {  	_ =	shalt  }
0x73: {  	_ =	shalt  }
0x74: {  	_ =	shalt  }
0x75: {  	_ =	shalt  }
0x76: {  	_ =	shalt  }
0x77: {  	_ =	shalt  }
0x78: {  	_ =	shalt  }
0x79: {  	_ =	shalt  }
0x7a: {  	_ =	shalt  }
0x7b: {  	_ =	shalt  }
0x7c: {  	_ =	shalt  }
0x7d: {  	_ =	shalt  }
0x7e: {  	_ =	shalt  }
0x7f: {  	_ =	shalt  }
0x80: {  	_ =	shalt  }
0x81: {  	_ =	shalt  }
0x82: {  	_ =	shalt  }
0x83: {  	_ =	shalt  }
0x84: {  	_ =	shalt  }
0x85: {  	_ =	shalt  }
0x86: {  	_ =	shalt  }
0x87: {  	_ =	shalt  }
.Lfunc_end0:
.L_simem_size_0:
called_computation_lowered:
.L_overlay_start_0:
0x88: {  	s2 =	sld [smem:$0x3FD9]  }
0x89: {  	s3 =	sld [smem:$0x3FFE];
	_ =	sdelay $0x1  }
0x8a: {  	s1 =	srdreg.scid  }
0x8b: {  	s0 =	sand.u32 $0x1, s1  }
0x8c: {  	s17 =	sshll.u32 s0, $0xA;
	s2 =	sadd.s32 s3, s2  }
0x8d: {  	s2 =	sadd.s32 s2, s17  }
0x8e: {  	[smem:$0x3FC4] =	sst s2  }
0x8f: {  	_ = 	snop  }
0x90: {  	s2 =	sld [smem:$0x3FC9]  }
0x91: {  	s18 =	sld [smem:$0x3FC8]  }
0x92: {  	s4 =	sld [smem:$0x3FC7]  }
0x93: {  	s5 =	sld [smem:$0x3FC6];
	(tm) =	ssettm $0x1  }
0x94: {  	s6 =	sld [smem:$0x3FFB];
	_ =	sdelay $0x3  }
0x95: {  	_ =	strace s6  }
0x96: {  	s6 =	sld [smem:$0x3FFC];
	_ =	sdelay $0x3  }
0x97: {  	_ =	strace s6  }
0x98: {  	s6 =	sld [smem:$0x3FFD];
	_ =	sdelay $0x3  }
0x99: {  	_ =	strace s6  }
0x9a: {  	_ =	strace $0x8FFFFFFF  }
0x9b: {  	s19 =	sld [smem:$0x3FDB];
	_ =	sdelay $0x1  }
0x9c: {  	s7 =	simm.s32 $_scs_section_size  }
0x9d: {  	s8 =	simm.s32 $_size__tile_overlayer_lowered;
	s9 =	simm.s32 $_tile_overlayer_lowered  }
0x9e: {  	s22 =	simm.s32 $0x1BFF;
	s21 =	sshll.u32 s9, $0x1;
	s6 =	sadd.s32 s7, s19  }
0x9f: {  	s10 =	simm.s32 $0x0;
	s20 =	sshll.u32 s8, $0x1;
	s8 =	sadd.s32 s21, s6  }
0xa0: {  	[timem:s10], [sflag:s22] =	dma.local [hbm:s8], s20  }
0xa1: {  	_ =	swait.ge [sflag:s22], s20  }
0xa2: {  	s7 =	ssub.s32 $0x0, s20;
	[sflag:s22] =	ssyncset.done $0x0  }
0xa3: {  	[sflag:s22] =	ssyncadd.s32 s7;
	_ =	sdelay $0x1  }
0xa4: {  	s23 =	simm.s32 $0x1B8B  }
0xa5: {  	_ =	swait.ge [sflag:s23], $0x1  }
0xa6: {  	[sflag:s23] =	ssyncset.done $0x0  }
0xa7: {  	s25 =	simm.s32 $0x1B8E;
	s24 =	sld [smem:$0x3FFE];
	[sflag:s23] =	ssyncadd.s32 $0xFFFFFFFF  }
0xa8: {  	s26 =	simm.s32 $execute0_lowered;
	[smem:$0x3FD2] =	sst s25  }
0xa9: {  	s8 =	sshll.u32 s26, $0x1;
	_ =	strace $0x80000046;
	[dreg:$0x1] =	wrdreg $0xFFFFFFFF  }
0xaa: {  	s28 =	simm.s32 $_size_execute0_lowered;
	s6 =	sadd.s32 s6, s8;
	[dreg:$0x0] =	wrdreg $0x0  }
0xab: {  	s8 =	sshll.u32 s28, $0x1;
	[dreg:$0x2] =	wrdreg s6  }
0xac: {  	[dreg:$0x3] =	wrdreg s8  }
0xad: {  	[dreg:$0x4] =	wrdreg $0xC0  }
0xae: {  	_ =	task [dreg:s10], $0x5FFFF  }
0xaf: {  	[dreg:$0x1] =	wrdreg $0xFFFFFFFF  }
0xb0: {  	[dreg:$0x0] =	wrdreg $0x60  }
0xb1: {  	[dreg:$0x2] =	wrdreg s2  }
0xb2: {  	[dreg:$0x3] =	wrdreg s18  }
0xb3: {  	[dreg:$0x4] =	wrdreg s4  }
0xb4: {  	[dreg:$0x5] =	wrdreg s5  }
0xb5: {  	[dreg:$0x6] =	wrdreg s24  }
0xb6: {  	[dreg:$0x7] =	wrdreg $0x9  }
0xb7: {  	_ =	task.clear_ibuf [dreg:s10], $0x8FFFF;
	_ =	strace $0x90000046  }
0xb8: {  	s29 =	simm.s32 $0x9;
	_ =	strace $0x80000048  }
0xb9: {  	_ =	swait.ge [sflag:s29], $0x1  }
0xba: {  	[sflag:s29] =	ssyncadd.s32 $0xFFFFFFFF  }
0xbb: {  	_ =	strace $0x90000048  }
0xbc: {  	_ =	sfence  }
0xbd: {  	s30 =	sld [smem:$0x0];
	_ =	sdelay $0x2  }
0xbe: {  	s31 =	sshll.u32 s1, $0xD;
	s1 =	sshrl.u32 s1, $0x2  }
0xbf: {  	s3 =	sand.u32 $0x4000, s31;
	s1 =	sadd.s32 s1, s30  }
0xc0: {  	s0 =	sor.u32 s3, s0;
	s1 =	sshll.u32 s1, $0x11  }
0xc1: {  	s0 =	sor.u32 s1, s0  }
0xc2: {  	s0 =	sadd.s32 $0x8F2B, s0  }
0xc3: {  	[sflag:s0] =	ssyncadd.remote.s32 $0x1  }
0xc4: {  	_ =	sfence.sel $0xFFFF  }
0xc5: {  	[dreg:$0x0] =	wrdreg $0xFFFFFFFF;
	(pc) =	sbr.abs _section_cstart, $3  }
0xc6: {  	[dreg:$0x1] =	wrdreg $0xFFFFFFFF  }
0xc7: {  	_ =	task.clear_ibuf [dreg:s10], $0x2FFFF;
	_ =	strace $0x9FFFFFFF  }
0xc8: {  	(tm) =	ssettm $0x7FFFFFFF  }
0xc9: {  	_ =	shalt  }
tec
execute0_lowered:
.L_overlay_start_1:
0x0: {  	(tag) =	ssettag $0x1  }
0x1: {  	s7 =	rddreg [dreg:$0x0]  }
0x2: {  	s0 =	rddreg [dreg:$0x1]  }
0x3: {  	v0 =	vimm.s32 $0xFEDCBA98;
	s1 =	rddreg [dreg:$0x2];
	v2 =	vimm.s32 $0x76543210;
	v4 =	vimm.s32 $0x32107654  }
0x4: {  	s2 =	rddreg [dreg:$0x3];
	v5 =	vimm.s32 $0xDCFE98BA;
	v6 =	vimm.s32 $0x54761032;
	v7 =	vimm.s32 $0xEFCDAB89  }
0x5: {  	s6 =	rddreg [dreg:$0x4];
	s4 =	simm.s32 $0x0;
	v8 =	vimm.s32 $0x67452301;
	v19 =	vimm.s32 $0x0;
	v1 =	vunpack.c.l.s4.s8 v0  }
0x6: {  	s5 =	srdreg.scid;
	s3 =	stileid.u32;
	s12 =	simm.s32 $0x1080;
	v5 =	vunpack.c.l.s4.s8 v5;
	v6 =	vunpack.c.l.s4.s8 v6;
	v7 =	vunpack.c.l.s4.s8 v7  }
0x7: {  	s13 =	simm.s32 $0x1100;
	s14 =	simm.s32 $0x1;
	s15 =	simm.s32 $0x1180;
	v8 =	vunpack.c.l.s4.s8 v8;
	v3 =	vunpack.c.0.s8.s32 v1;
	v1 =	vimm.s32 $0xBA98FEDC  }
0x8: {  	s16 =	simm.s32 $0x0;
	[smem:$0x7FF] =	sst s4;
	s8 =	sand.u32 $0x1, s5;
	v4 =	vunpack.c.l.s4.s8 v4;
	v5 =	vunpack.c.0.s8.s32 v5;
	v1 =	vunpack.c.l.s4.s8 v1  }
0x9: {  	s9 =	sshll.u32 s3, $0x1;
	s5 =	rddreg [dreg:$0x5];
	s31 =	sshll.u32 s3, $0xA;
	v6 =	vunpack.c.0.s8.s32 v6;
	v7 =	vunpack.c.0.s8.s32 v7;
	v8 =	vunpack.c.0.s8.s32 v8  }
0xa: {  	v2 =	vunpack.c.l.s4.s8 v2;
	s9 =	sor.u32 s8, s9;
	_ =	strace $0x80000047;
	s30 =	ssub.s32 $0x2, s8;
	v4 =	vunpack.c.0.s8.s32 v4;
	v1 =	vunpack.c.0.s8.s32 v1  }
0xb: {  	v0 =	vlaneseq.u32;
	s8 =	sand.u32 $0x3800, s31;
	s10 =	sshll.u32 s9, $0x7;
	s11 =	sshrl.u32 s30, $0x1;
	v6 =	vcombine.low v6, v5;
	v7 =	vcombine.low v8, v7  }
0xc: {  	s9 =	sshll.u32 s9, $0x3;
	s7 =	sadd.s32 s7, s8;
	s10 =	sadd.s32 s10, s6;
	v9 =	vcombine.low v4, v1;
	v1 =	vmul.u32 $0x40, v0;
	v4 =	vunpack.c.0.s8.s32 v2  }
0xd: {  	s11 =	ssub.s32 s30, s11;
	s6 =	sand.u32 $0x18, s9;
	s8 =	sadd.s32 $0x400, s10;
	v10 =	vand.u32 $0xF, v3;
	v6 =	vand.u32 $0xF, v6;
	v7 =	vand.u32 $0xF, v7  }
0xe: {  	s9 =	smax.u32 s11, $0x1;
	s10 =	simm.s32 $0x1000;
	s11 =	simm.s32 $0x2;
	v2 =	vor.u32 $0x1, v1;
	v4 =	vcombine.low v10, v4;
	v5 =	vand.u32 $0xF, v9  }
.LBB2_1:
0xf: {  	[tilespmem:s4], [sflag:$0x1] =	stream.linear.gather [hbm4b:s7+s4], $0x1000, $0x38;
	[tilespmem:$0x1580] =	vst v63  }
0x10: {  	_ = 	snop  }
0x11: {  	[tilespmem:s10], [sflag:$0x2] =	stream.linear.gather [hbm4b:s0+s4], $0x80, $0x38;
	[tilespmem:$0x1580] =	vst v63  }
0x12: {  	_ =	swait.ge [sflag:s11], $0x80  }
0x13: {  	[sflag:s11] =	ssyncset.done $0x0  }
0x14: {  	[sflag:s11] =	ssyncadd.s32 $0xFFFFFF80  }
0x15: {  	[tilespmem:s12], [sflag:$0x2] =	stream.linear.gather [hbm4b:s1+s4], $0x80, $0x38;
	[tilespmem:$0x1580] =	vst v63  }
0x16: {  	_ =	swait.ge [sflag:s11], $0x80  }
0x17: {  	[sflag:s11] =	ssyncset.done $0x0  }
0x18: {  	[sflag:s11] =	ssyncadd.s32 $0xFFFFFF80  }
0x19: {  	[tilespmem:s13], [sflag:$0x2] =	stream.linear.gather [hbm4b:s2+s4], $0x80, $0x38;
	[tilespmem:$0x1580] =	vst v63  }
0x1a: {  	_ =	swait.ge [sflag:s11], $0x80  }
0x1b: {  	[sflag:s11] =	ssyncset.done $0x0  }
0x1c: {  	[sflag:s11] =	ssyncadd.s32 $0xFFFFFF80  }
0x1d: {  	_ =	swait.ge [sflag:s14], $0x1000  }
0x1e: {  	[sflag:s14] =	ssyncset.done $0x0  }
0x1f: {  	s17 =	simm.s32 $0x0;
	[sflag:s14] =	ssyncadd.s32 $0xFFFFF000  }
.LBB2_2:
0x20: {  	s18 =	sor.u32 s6, s17  }
0x21: {  	s18 =	sshll.u32 s18, $0x1  }
0x22: {  	v8 =	vor.u32 s18, v1  }
0x23: {  	v9 =	vor.u32 s18, v2;
	s19 =	sor.u32 $0x400, s18  }
0x24: {  	s20 =	sor.u32 $0x800, s18;
	v10 =	vor.u32 s19, v1  }
0x25: {  	s18 =	sor.u32 $0xC00, s18;
	v11 =	vor.u32 s20, v1  }
0x26: {  	v15 =	vor.u32 s18, v1  }
0x27: {  	v12 =	vld.idx.msk [tilespmem:v8+s4+$0x0], $0xffff  }
0x28: {  	v18 =	vor.u32 s18, v2;
	v13 =	vld.idx.msk [tilespmem:v9+s4+$0x0], $0xffff  }
0x29: {  	v8 =	vor.u32 s19, v2;
	v16 =	vld.idx.msk [tilespmem:v10+s4+$0x0], $0xffff  }
0x2a: {  	v9 =	vor.u32 s20, v2;
	v14 =	vld.idx.msk [tilespmem:v11+s4+$0x0], $0xffff  }
0x2b: {  	v10 =	vld.idx.msk [tilespmem:v15+s4+$0x0], $0xffff  }
0x2c: {  	s26 =	simm.s32 $0x0  }
0x2d: {  	s25 =	simm.s32 $0x0;
	s21 =	simm.s32 $0x0;
	s28 =	sand.u32 $0xC, s26;
	v11 =	vld.idx.msk [tilespmem:v18+s4+$0x0], $0xffff  }
0x2e: {  	v23 =	vmov s21;
	s29 =	sor.u32 $0x3, s28;
	v26 =	vmov s28;
	v17 =	vld.idx.msk [tilespmem:v8+s4+$0x0], $0xffff;
	v8 =	vmov s25  }
0x2f: {  	v20 =	vmov s29;
	s19 =	simm.s32 $0x4;
	v15 =	vld.idx.msk [tilespmem:v9+s4+$0x0], $0xffff;
	vm0 =	veq.s32 v8, $0x0;
	vm1 =	vlt.u32 v8, $0x3  }
0x30: {  	s20 =	sor.u32 $0x1, s28;
	s18 =	sand.u32 $0xC, s19;
	vm2 =	vlt.u32 v8, $0x2;
	v9 =	vsel vm0, v12, v16;
	v18 =	vsel vm1, v14, v10  }
0x31: {  	v27 =	vmov s20;
	s30 =	sor.u32 $0x3, s18;
	v8 =	vperm.xlane v12, v19;
	v21 =	vsel vm2, v9, v18  }
0x32: {  	v9 =	vperm.xlane v13, v19;
	v19 =	vimm.f32 $0.0e+00;
	v18 =	vmov s30  }
0x33: {  	v22 =	vperm.xlane v21, v20;
	v39 =	vperm.xlane v21, v27;
	v24 =	vsel vm0, v13, v17  }
0x34: {  	s31 =	sor.u32 $0x2, s28;
	v25 =	vsel vm1, v15, v11;
	vm0 =	vlt.u32 v23, $0x2;
	vm1 =	vlt.u32 v23, $0x3  }
0x35: {  	v24 =	vsel vm2, v24, v25;
	v25 =	vmov s31;
	v28 =	vsub.f32 v12, v22  }
0x36: {  	vm2 =	veq.s32 v23, $0x0;
	v29 =	vsub.f32 v16, v22;
	v32 =	vsub.f32 v14, v22  }
0x37: {  	v22 =	vsub.f32 v10, v22;
	v36 =	vsel vm1, v14, v10;
	v43 =	vsub.f32 v12, v39  }
0x38: {  	v44 =	vsub.f32 v16, v39;
	v46 =	vsub.f32 v14, v39;
	v20 =	vperm.xlane v24, v20  }
0x39: {  	v39 =	vsub.f32 v10, v39;
	v30 =	vperm.xlane v21, v25;
	v25 =	vperm.xlane v24, v25  }
0x3a: {  	v34 =	vsel vm2, v12, v16;
	v27 =	vperm.xlane v24, v27;
	v21 =	vperm.xlane v21, v26  }
0x3b: {  	v24 =	vperm.xlane v24, v26;
	v28 =	vmul.f32 v28, v28;
	v23 =	vsub.f32 v13, v20  }
0x3c: {  	v29 =	vmul.f32 v29, v29;
	v31 =	vsub.f32 v17, v20;
	v33 =	vsub.f32 v15, v20  }
0x3d: {  	v32 =	vmul.f32 v32, v32;
	v35 =	vsub.f32 v12, v30;
	v20 =	vsub.f32 v11, v20  }
0x3e: {  	v22 =	vmul.f32 v22, v22;
	v37 =	vsub.f32 v13, v25;
	v38 =	vsub.f32 v16, v30  }
0x3f: {  	v43 =	vmul.f32 v43, v43;
	v40 =	vsub.f32 v17, v25;
	v41 =	vsub.f32 v14, v30  }
0x40: {  	v44 =	vmul.f32 v44, v44;
	v42 =	vsub.f32 v15, v25;
	v30 =	vsub.f32 v10, v30  }
0x41: {  	v46 =	vmul.f32 v46, v46;
	v25 =	vsub.f32 v11, v25;
	v26 =	vsub.f32 v13, v27  }
0x42: {  	v39 =	vmul.f32 v39, v39;
	v45 =	vsub.f32 v17, v27;
	v47 =	vsub.f32 v15, v27  }
0x43: {  	v27 =	vsub.f32 v11, v27;
	v23 =	vmul.f32 v23, v23;
	v31 =	vmul.f32 v31, v31  }
0x44: {  	v48 =	vsub.f32 v12, v21;
	v33 =	vmul.f32 v33, v33;
	v20 =	vmul.f32 v20, v20  }
0x45: {  	v49 =	vsub.f32 v13, v24;
	v35 =	vmul.f32 v35, v35;
	v37 =	vmul.f32 v37, v37  }
0x46: {  	v50 =	vsub.f32 v16, v21;
	v38 =	vmul.f32 v38, v38;
	v40 =	vmul.f32 v40, v40  }
0x47: {  	v51 =	vsub.f32 v17, v24;
	v41 =	vmul.f32 v41, v41;
	v42 =	vmul.f32 v42, v42  }
0x48: {  	v52 =	vsub.f32 v14, v21;
	v30 =	vmul.f32 v30, v30;
	v25 =	vmul.f32 v25, v25  }
0x49: {  	v53 =	vsub.f32 v15, v24;
	v26 =	vmul.f32 v26, v26;
	v45 =	vmul.f32 v45, v45  }
0x4a: {  	v21 =	vsub.f32 v10, v21;
	v47 =	vmul.f32 v47, v47;
	v27 =	vmul.f32 v27, v27  }
0x4b: {  	v24 =	vsub.f32 v11, v24;
	v48 =	vmul.f32 v48, v48;
	v49 =	vmul.f32 v49, v49  }
0x4c: {  	v50 =	vmul.f32 v50, v50;
	v23 =	vadd.f32 v23, v28;
	v28 =	vadd.f32 v31, v29  }
0x4d: {  	v57 =	vmul.f32 v52, v52;
	v31 =	vadd.f32 v33, v32;
	v22 =	vadd.f32 v20, v22  }
0x4e: {  	v60 =	vmul.f32 v53, v53;
	v58 =	vadd.f32 v37, v35;
	v59 =	vadd.f32 v40, v38  }
0x4f: {  	v24 =	vmul.f32 v24, v24;
	v61 =	vadd.f32 v42, v41;
	v25 =	vadd.f32 v25, v30  }
0x50: {  	v29 =	vmul.f32 v51, v51;
	v26 =	vadd.f32 v26, v43;
	v62 =	vadd.f32 v45, v44  }
0x51: {  	v30 =	vmul.f32 v21, v21;
	v63 =	vadd.f32 v47, v46;
	v27 =	vadd.f32 v27, v39  }
0x52: {  	v20 =	vsel vm0, v34, v36;
	v34 =	vadd.f32 v49, v48;
	v32 =	vadd.f32 v60, v57  }
0x53: {  	v21 =	vperm.xlane v20, v18;
	v29 =	vadd.f32 v29, v50;
	v24 =	vadd.f32 v24, v30  }
0x54: {  	v30 =	vshrl.u32 v23, $0x1;
	v23 =	vmul.f32 $5.000000000e-01, v23;
	v36 =	vshrl.u32 v28, $0x1  }
0x55: {  	v37 =	vmul.f32 $5.000000000e-01, v28;
	v28 =	vshrl.u32 v31, $0x1;
	v39 =	vmul.f32 $5.000000000e-01, v31  }
0x56: {  	v31 =	vshrl.u32 v58, $0x1;
	v44 =	vshrl.u32 v22, $0x1;
	v22 =	vmul.f32 $5.000000000e-01, v22  }
0x57: {  	v45 =	vmul.f32 $5.000000000e-01, v58;
	v33 =	vshrl.u32 v59, $0x1;
	v46 =	vmul.f32 $5.000000000e-01, v59  }
0x58: {  	v47 =	vshrl.u32 v61, $0x1;
	v48 =	vmul.f32 $5.000000000e-01, v61;
	v49 =	vshrl.u32 v25, $0x1  }
0x59: {  	v50 =	vshrl.u32 v26, $0x1;
	v54 =	vmul.f32 $5.000000000e-01, v26;
	v57 =	vmul.f32 $5.000000000e-01, v25  }
0x5a: {  	v51 =	vshrl.u32 v62, $0x1;
	v40 =	vmul.f32 $5.000000000e-01, v62;
	v52 =	vshrl.u32 v63, $0x1  }
0x5b: {  	v58 =	vmul.f32 $5.000000000e-01, v63;
	v59 =	vshrl.u32 v27, $0x1;
	v60 =	vmul.f32 $5.000000000e-01, v27  }
0x5c: {  	v61 =	vshrl.u32 v34, $0x1;
	v62 =	vmul.f32 $5.000000000e-01, v34;
	v0 =	vshrl.u32 v32, $0x1  }
0x5d: {  	v42 =	vmul.f32 $5.000000000e-01, v32;
	v26 =	vsub.s32 $0x5F3759DF, v30;
	v35 =	vsub.s32 $0x5F3759DF, v36  }
0x5e: {  	v25 =	vsub.s32 $0x5F3759DF, v28;
	v34 =	vsub.s32 $0x5F3759DF, v44;
	v30 =	vsub.s32 $0x5F3759DF, v31  }
0x5f: {  	v31 =	vsub.s32 $0x5F3759DF, v33;
	v28 =	vsub.s32 $0x5F3759DF, v47;
	v27 =	vsub.s32 $0x5F3759DF, v50  }
0x60: {  	v32 =	vsub.s32 $0x5F3759DF, v49;
	v33 =	vsub.s32 $0x5F3759DF, v52;
	v38 =	vmul.f32 $5.000000000e-01, v29  }
0x61: {  	v36 =	vsub.s32 $0x5F3759DF, v59;
	v41 =	vmul.f32 $5.000000000e-01, v24;
	v55 =	vmul.f32 v26, v23  }
0x62: {  	v63 =	vshrl.u32 v29, $0x1;
	v56 =	vmul.f32 v35, v37;
	v53 =	vmul.f32 v25, v39  }
0x63: {  	v29 =	vsub.s32 $0x5F3759DF, v51;
	v51 =	vmul.f32 v30, v45;
	v52 =	vmul.f32 v34, v22  }
0x64: {  	v43 =	vshrl.u32 v24, $0x1;
	v49 =	vmul.f32 v31, v46;
	v50 =	vmul.f32 v28, v48  }
0x65: {  	v37 =	vsub.s32 $0x5F3759DF, v61;
	v45 =	vmul.f32 v27, v54;
	v46 =	vmul.f32 v32, v57  }
0x66: {  	v48 =	vmul.f32 v33, v58;
	v54 =	vmul.f32 v36, v60;
	v22 =	vimm.f32 $0.0e+00  }
0x67: {  	v23 =	vimm.f32 $0.0e+00;
	v24 =	vimm.f32 $0.0e+00;
	v39 =	vsub.s32 $0x5F3759DF, v63  }
0x68: {  	v47 =	vmul.f32 v29, v40;
	v44 =	vmul.f32 v37, v62;
	v40 =	vsub.s32 $0x5F3759DF, v0  }
.LBB2_3:
0x69: {  	s19 =	sadd.s32 $0x4, s19;
	v0 =	vmul.f32 v39, v38;
	v42 =	vmul.f32 v40, v42;
	v43 =	vsub.s32 $0x5F3759DF, v43  }
0x6a: {  	v38 =	vmov s18;
	v55 =	vmul.f32 v26, v55;
	s20 =	sshrl.u32 s19, $0x4;
	s21 =	sand.u32 $0xC, s19;
	p0 =	slt.u32 s19, $0x3C;
	v57 =	vmul.f32 v43, v41  }
0x6b: {  	v56 =	vmul.f32 v35, v56;
	v53 =	vmul.f32 v25, v53;
	v58 =	vmov s20;
	s20 =	sor.u32 $0x3, s21  }
0x6c: {  	v51 =	vmul.f32 v30, v51;
	v52 =	vmul.f32 v34, v52;
	v59 =	vmov s20;
	s20 =	sor.u32 $0x2, s18  }
0x6d: {  	s22 =	sor.u32 $0x1, s18;
	v49 =	vmul.f32 v31, v49;
	v50 =	vmul.f32 v28, v50;
	s18 =	smov.u32 s21;
	v60 =	vmov s20  }
0x6e: {  	v45 =	vmul.f32 v27, v45;
	v46 =	vmul.f32 v32, v46;
	v41 =	vmov s22  }
0x6f: {  	v61 =	vsel vm2, v13, v17;
	v47 =	vmul.f32 v29, v47;
	v48 =	vmul.f32 v33, v48  }
0x70: {  	v54 =	vmul.f32 v36, v54;
	v55 =	vsub.f32 $1.500000000e+00, v55;
	v56 =	vsub.f32 $1.500000000e+00, v56  }
0x71: {  	v44 =	vmul.f32 v37, v44;
	v53 =	vsub.f32 $1.500000000e+00, v53;
	v52 =	vsub.f32 $1.500000000e+00, v52  }
0x72: {  	v0 =	vmul.f32 v39, v0;
	v51 =	vsub.f32 $1.500000000e+00, v51;
	v49 =	vsub.f32 $1.500000000e+00, v49  }
0x73: {  	v42 =	vmul.f32 v40, v42;
	v50 =	vsub.f32 $1.500000000e+00, v50;
	v46 =	vsub.f32 $1.500000000e+00, v46  }
0x74: {  	v45 =	vsub.f32 $1.500000000e+00, v45;
	v47 =	vsub.f32 $1.500000000e+00, v47;
	v57 =	vmul.f32 v43, v57  }
0x75: {  	v48 =	vsub.f32 $1.500000000e+00, v48;
	v26 =	vmul.f32 v26, v55;
	v35 =	vmul.f32 v35, v56  }
0x76: {  	v54 =	vsub.f32 $1.500000000e+00, v54;
	v25 =	vmul.f32 v25, v53;
	v34 =	vmul.f32 v34, v52  }
0x77: {  	v44 =	vsub.f32 $1.500000000e+00, v44;
	v30 =	vmul.f32 v30, v51;
	v31 =	vmul.f32 v31, v49  }
0x78: {  	v0 =	vsub.f32 $1.500000000e+00, v0;
	v28 =	vmul.f32 v28, v50;
	v32 =	vmul.f32 v32, v46  }
0x79: {  	v42 =	vsub.f32 $1.500000000e+00, v42;
	v27 =	vmul.f32 v27, v45;
	v29 =	vmul.f32 v29, v47  }
0x7a: {  	v33 =	vmul.f32 v33, v48;
	v45 =	vsub.f32 $1.500000000e+00, v57;
	v36 =	vmul.f32 v36, v54  }
0x7b: {  	v46 =	vsel vm1, v15, v11;
	v37 =	vmul.f32 v37, v44;
	v0 =	vmul.f32 v39, v0  }
0x7c: {  	v39 =	vsel vm0, v61, v46;
	v40 =	vmul.f32 v40, v42;
	v42 =	vmul.f32 v43, v45  }
0x7d: {  	v30 =	vmin.f32 v30, $1.000000000e+00;
	v26 =	vmin.f32 v26, $1.000000000e+00;
	v35 =	vmin.f32 v35, $1.000000000e+00  }
0x7e: {  	v27 =	vmin.f32 v27, $1.000000000e+00;
	v29 =	vmin.f32 v29, $1.000000000e+00;
	v31 =	vmin.f32 v31, $1.000000000e+00  }
0x7f: {  	v37 =	vmin.f32 v37, $1.000000000e+00;
	v0 =	vmin.f32 v0, $1.000000000e+00;
	v40 =	vmin.f32 v40, $1.000000000e+00  }
0x80: {  	v19 =	vadd.f32 v37, v19;
	v42 =	vmin.f32 v42, $1.000000000e+00;
	v0 =	vadd.f32 v0, v22  }
0x81: {  	v22 =	vadd.f32 v40, v23;
	v23 =	vadd.f32 v42, v24;
	v24 =	vmin.f32 v33, $1.000000000e+00  }
0x82: {  	v33 =	vmin.f32 v36, $1.000000000e+00;
	v19 =	vadd.f32 v27, v19;
	v0 =	vadd.f32 v29, v0  }
0x83: {  	v22 =	vadd.f32 v24, v22;
	v24 =	vmin.f32 v28, $1.000000000e+00;
	v23 =	vadd.f32 v33, v23  }
0x84: {  	v27 =	vmin.f32 v32, $1.000000000e+00;
	v19 =	vadd.f32 v30, v19;
	v0 =	vadd.f32 v31, v0  }
0x85: {  	v24 =	vadd.f32 v24, v22;
	v27 =	vadd.f32 v27, v23;
	v23 =	vmin.f32 v25, $1.000000000e+00  }
0x86: {  	v25 =	vmin.f32 v34, $1.000000000e+00;
	v19 =	vadd.f32 v26, v19;
	v22 =	vadd.f32 v35, v0  }
0x87: {  	v0 =	vperm.xlane v39, v18;
	v23 =	vadd.f32 v23, v24;
	v18 =	vmovc v59;
	v24 =	vadd.f32 v25, v27  }
0x88: {  	vm2 =	veq.s32 v58, $0x0;
	vm0 =	vlt.u32 v58, $0x2;
	v25 =	vsub.f32 v12, v21  }
0x89: {  	vm1 =	vlt.u32 v58, $0x3;
	v27 =	vsub.f32 v16, v21;
	v26 =	vsub.f32 v13, v0  }
0x8a: {  	v28 =	vperm.xlane v20, v60;
	v30 =	vsub.f32 v14, v21;
	v29 =	vsub.f32 v17, v0  }
0x8b: {  	v31 =	vperm.xlane v39, v60;
	v21 =	vsub.f32 v10, v21;
	v32 =	vsub.f32 v15, v0  }
0x8c: {  	v33 =	vsel vm2, v12, v16;
	v34 =	vsub.f32 v12, v28;
	v0 =	vsub.f32 v11, v0  }
0x8d: {  	v37 =	vsub.f32 v16, v28;
	v35 =	vsel vm1, v14, v10;
	v36 =	vsub.f32 v13, v31  }
0x8e: {  	v40 =	vperm.xlane v20, v41;
	v43 =	vsub.f32 v14, v28;
	v42 =	vsub.f32 v17, v31  }
0x8f: {  	v41 =	vperm.xlane v39, v41;
	v28 =	vsub.f32 v10, v28;
	v44 =	vsub.f32 v15, v31  }
0x90: {  	v20 =	vperm.xlane v20, v38;
	v45 =	vsub.f32 v12, v40;
	v31 =	vsub.f32 v11, v31  }
0x91: {  	v38 =	vperm.xlane v39, v38;
	v46 =	vsub.f32 v16, v40;
	v39 =	vsub.f32 v13, v41  }
0x92: {  	v47 =	vsub.f32 v17, v41;
	v25 =	vmul.f32 v25, v25;
	v26 =	vmul.f32 v26, v26  }
0x93: {  	v48 =	vsub.f32 v14, v40;
	v27 =	vmul.f32 v27, v27;
	v29 =	vmul.f32 v29, v29  }
0x94: {  	v49 =	vsub.f32 v15, v41;
	v30 =	vmul.f32 v30, v30;
	v32 =	vmul.f32 v32, v32  }
0x95: {  	v40 =	vsub.f32 v10, v40;
	v21 =	vmul.f32 v21, v21;
	v0 =	vmul.f32 v0, v0  }
0x96: {  	v41 =	vsub.f32 v11, v41;
	v34 =	vmul.f32 v34, v34;
	v36 =	vmul.f32 v36, v36  }
0x97: {  	v50 =	vsub.f32 v12, v20;
	v37 =	vmul.f32 v37, v37;
	v42 =	vmul.f32 v42, v42  }
0x98: {  	v51 =	vsub.f32 v13, v38;
	v43 =	vmul.f32 v43, v43;
	v44 =	vmul.f32 v44, v44  }
0x99: {  	v52 =	vsub.f32 v16, v20;
	v28 =	vmul.f32 v28, v28;
	v31 =	vmul.f32 v31, v31  }
0x9a: {  	v53 =	vsub.f32 v17, v38;
	v45 =	vmul.f32 v45, v45;
	v39 =	vmul.f32 v39, v39  }
0x9b: {  	v54 =	vsub.f32 v14, v20;
	v46 =	vmul.f32 v46, v46;
	v47 =	vmul.f32 v47, v47  }
0x9c: {  	v55 =	vsub.f32 v15, v38;
	v48 =	vmul.f32 v48, v48;
	v49 =	vmul.f32 v49, v49  }
0x9d: {  	v20 =	vsub.f32 v10, v20;
	v40 =	vmul.f32 v40, v40;
	v41 =	vmul.f32 v41, v41  }
0x9e: {  	v38 =	vsub.f32 v11, v38;
	v50 =	vmul.f32 v50, v50;
	v51 =	vmul.f32 v51, v51  }
0x9f: {  	v52 =	vmul.f32 v52, v52;
	v25 =	vadd.f32 v26, v25;
	v26 =	vadd.f32 v29, v27  }
0xa0: {  	v27 =	vmul.f32 v53, v53;
	v29 =	vadd.f32 v32, v30;
	v0 =	vadd.f32 v0, v21  }
0xa1: {  	v30 =	vmul.f32 v54, v54;
	v32 =	vadd.f32 v36, v34;
	v34 =	vadd.f32 v42, v37  }
0xa2: {  	v28 =	vadd.f32 v31, v28;
	v36 =	vmul.f32 v55, v55;
	v37 =	vadd.f32 v44, v43  }
0xa3: {  	v31 =	vmul.f32 v20, v20;
	v39 =	vadd.f32 v39, v45;
	v42 =	vadd.f32 v47, v46  }
0xa4: {  	v38 =	vmul.f32 v38, v38;
	v40 =	vadd.f32 v41, v40;
	v43 =	vadd.f32 v49, v48  }
0xa5: {  	v20 =	vsel vm0, v33, v35;
	v33 =	vadd.f32 v51, v50;
	v27 =	vadd.f32 v27, v52  }
0xa6: {  	v21 =	vperm.xlane v20, v18;
	v31 =	vadd.f32 v38, v31;
	v30 =	vadd.f32 v36, v30  }
0xa7: {  	v35 =	vshrl.u32 v25, $0x1;
	v36 =	vmul.f32 $5.000000000e-01, v25;
	v25 =	vshrl.u32 v26, $0x1  }
0xa8: {  	v44 =	vmul.f32 $5.000000000e-01, v26;
	v45 =	vshrl.u32 v29, $0x1;
	v46 =	vmul.f32 $5.000000000e-01, v29  }
0xa9: {  	v29 =	vshrl.u32 v32, $0x1;
	v47 =	vshrl.u32 v0, $0x1;
	v0 =	vmul.f32 $5.000000000e-01, v0  }
0xaa: {  	v48 =	vmul.f32 $5.000000000e-01, v32;
	v32 =	vshrl.u32 v34, $0x1;
	v49 =	vmul.f32 $5.000000000e-01, v34  }
0xab: {  	v51 =	vshrl.u32 v28, $0x1;
	v50 =	vshrl.u32 v37, $0x1;
	v37 =	vmul.f32 $5.000000000e-01, v37  }
0xac: {  	v54 =	vmul.f32 $5.000000000e-01, v28;
	v52 =	vshrl.u32 v39, $0x1;
	v39 =	vmul.f32 $5.000000000e-01, v39  }
0xad: {  	v53 =	vshrl.u32 v42, $0x1;
	v57 =	vmul.f32 $5.000000000e-01, v42;
	v58 =	vshrl.u32 v43, $0x1  }
0xae: {  	v60 =	vshrl.u32 v40, $0x1;
	v61 =	vmul.f32 $5.000000000e-01, v40;
	v59 =	vmul.f32 $5.000000000e-01, v43  }
0xaf: {  	v40 =	vshrl.u32 v33, $0x1;
	v62 =	vmul.f32 $5.000000000e-01, v33;
	v63 =	vshrl.u32 v27, $0x1  }
0xb0: {  	v38 =	vmul.f32 $5.000000000e-01, v27;
	v3 =	vshrl.u32 v30, $0x1;
	v42 =	vmul.f32 $5.000000000e-01, v30  }
0xb1: {  	v43 =	vshrl.u32 v31, $0x1;
	v41 =	vmul.f32 $5.000000000e-01, v31;
	v26 =	vsub.s32 $0x5F3759DF, v35  }
0xb2: {  	v35 =	vsub.s32 $0x5F3759DF, v25;
	v25 =	vsub.s32 $0x5F3759DF, v45;
	v34 =	vsub.s32 $0x5F3759DF, v47  }
0xb3: {  	v31 =	vsub.s32 $0x5F3759DF, v32;
	v28 =	vsub.s32 $0x5F3759DF, v50;
	v30 =	vsub.s32 $0x5F3759DF, v29  }
0xb4: {  	v32 =	vsub.s32 $0x5F3759DF, v51;
	v27 =	vsub.s32 $0x5F3759DF, v52;
	v55 =	vmul.f32 v26, v36  }
0xb5: {  	v29 =	vsub.s32 $0x5F3759DF, v53;
	v56 =	vmul.f32 v35, v44;
	v53 =	vmul.f32 v25, v46  }
.Ltmp0:
0xb6: {  	v33 =	vsub.s32 $0x5F3759DF, v58;
	v52 =	vmul.f32 v34, v0;
	v51 =	vmul.f32 v30, v48;
	(pc) =	sbr.rel @p0 .LBB2_3-.Ltmp0, $4  }
0xb7: {  	v36 =	vsub.s32 $0x5F3759DF, v60;
	v49 =	vmul.f32 v31, v49;
	v50 =	vmul.f32 v28, v37  }
0xb8: {  	v37 =	vsub.s32 $0x5F3759DF, v40;
	v46 =	vmul.f32 v32, v54;
	v45 =	vmul.f32 v27, v39  }
0xb9: {  	v39 =	vsub.s32 $0x5F3759DF, v63;
	v47 =	vmul.f32 v29, v57;
	v48 =	vmul.f32 v33, v59  }
0xba: {  	v44 =	vmul.f32 v37, v62;
	v40 =	vsub.s32 $0x5F3759DF, v3;
	v54 =	vmul.f32 v36, v61  }
0xbb: {  	v0 =	vmul.f32 v39, v38;
	v61 =	vmul.f32 v40, v42  }
0xbc: {  	v62 =	vmul.f32 v26, v55;
	v63 =	vmul.f32 v35, v56  }
0xbd: {  	v53 =	vmul.f32 v25, v53;
	v51 =	vmul.f32 v30, v51  }
0xbe: {  	v3 =	vsub.s32 $0x5F3759DF, v43;
	v52 =	vmul.f32 v34, v52;
	v49 =	vmul.f32 v31, v49  }
0xbf: {  	v55 =	vmov s18;
	v50 =	vmul.f32 v28, v50;
	v45 =	vmul.f32 v27, v45  }
0xc0: {  	s19 =	sor.u32 $0x2, s18;
	v46 =	vmul.f32 v32, v46;
	v58 =	vsel vm2, v13, v17;
	v47 =	vmul.f32 v29, v47  }
0xc1: {  	s30 =	sor.u32 $0x1, s18;
	v48 =	vmul.f32 v33, v48;
	v41 =	vmul.f32 v3, v41;
	v56 =	vmov s19  }
0xc2: {  	v57 =	vmov s30;
	v54 =	vmul.f32 v36, v54;
	v42 =	vsub.f32 $1.500000000e+00, v62  }
0xc3: {  	v44 =	vmul.f32 v37, v44;
	v43 =	vsub.f32 $1.500000000e+00, v63;
	v53 =	vsub.f32 $1.500000000e+00, v53  }
0xc4: {  	v52 =	vsub.f32 $1.500000000e+00, v52;
	v0 =	vmul.f32 v39, v0;
	v51 =	vsub.f32 $1.500000000e+00, v51  }
0xc5: {  	v49 =	vsub.f32 $1.500000000e+00, v49;
	v38 =	vmul.f32 v40, v61;
	v50 =	vsub.f32 $1.500000000e+00, v50  }
0xc6: {  	v46 =	vsub.f32 $1.500000000e+00, v46;
	v45 =	vsub.f32 $1.500000000e+00, v45;
	v41 =	vmul.f32 v3, v41  }
0xc7: {  	v59 =	vsub.f32 $1.500000000e+00, v54;
	v54 =	vperm.xlane v20, v57;
	v42 =	vmul.f32 v26, v42  }
0xc8: {  	v47 =	vsub.f32 $1.500000000e+00, v47;
	v35 =	vmul.f32 v35, v43;
	v26 =	vmul.f32 v25, v53  }
0xc9: {  	v48 =	vsub.f32 $1.500000000e+00, v48;
	v25 =	vmul.f32 v34, v52;
	v61 =	vmul.f32 v30, v51  }
0xca: {  	v60 =	vsub.f32 $1.500000000e+00, v44;
	v62 =	vmul.f32 v31, v49;
	v63 =	vmul.f32 v28, v50  }
0xcb: {  	v0 =	vsub.f32 $1.500000000e+00, v0;
	v32 =	vmul.f32 v32, v46;
	v45 =	vmul.f32 v27, v45  }
0xcc: {  	v38 =	vsub.f32 $1.500000000e+00, v38;
	v46 =	vmul.f32 v29, v47;
	v47 =	vmul.f32 v33, v48  }
0xcd: {  	v49 =	vsel vm1, v15, v11;
	v51 =	vperm.xlane v20, v56;
	v52 =	vsub.f32 v14, v21  }
0xce: {  	v20 =	vperm.xlane v20, v55;
	v41 =	vsub.f32 $1.500000000e+00, v41;
	v48 =	vmul.f32 v36, v59  }
0xcf: {  	v34 =	vmul.f32 v37, v60;
	v50 =	vsel vm0, v58, v49;
	v58 =	vsub.f32 v12, v54  }
0xd0: {  	v0 =	vmul.f32 v39, v0;
	v38 =	vmul.f32 v40, v38;
	v30 =	vmin.f32 v61, $1.000000000e+00  }
0xd1: {  	v27 =	vmin.f32 v45, $1.000000000e+00;
	v29 =	vmin.f32 v46, $1.000000000e+00;
	v31 =	vmin.f32 v62, $1.000000000e+00  }
0xd2: {  	v60 =	vmin.f32 v47, $1.000000000e+00;
	v62 =	vsub.f32 v16, v21;
	v53 =	vperm.xlane v50, v56  }
0xd3: {  	v28 =	vsub.f32 v12, v51;
	v40 =	vsub.f32 v16, v51;
	v56 =	vperm.xlane v50, v57  }
0xd4: {  	v37 =	vperm.xlane v50, v55;
	v32 =	vmin.f32 v32, $1.000000000e+00;
	v26 =	vmin.f32 v26, $1.000000000e+00  }
0xd5: {  	v25 =	vmin.f32 v25, $1.000000000e+00;
	v3 =	vmul.f32 v3, v41;
	v34 =	vmin.f32 v34, $1.000000000e+00  }
0xd6: {  	v61 =	vmin.f32 v48, $1.000000000e+00;
	v41 =	vsub.f32 v10, v54;
	v46 =	vmul.f32 v58, v58  }
0xd7: {  	v0 =	vmin.f32 v0, $1.000000000e+00;
	v19 =	vadd.f32 v34, v19;
	v39 =	vsub.f32 v13, v53  }
0xd8: {  	v38 =	vmin.f32 v38, $1.000000000e+00;
	v57 =	vsub.f32 v15, v53;
	v49 =	vsub.f32 v17, v56  }
0xd9: {  	v34 =	vmul.f32 v52, v52;
	v28 =	vmul.f32 v28, v28;
	v44 =	vsub.f32 v11, v56  }
0xda: {  	v40 =	vmul.f32 v40, v40;
	v52 =	vsub.f32 v12, v20;
	v55 =	vsub.f32 v17, v37  }
0xdb: {  	v3 =	vmin.f32 v3, $1.000000000e+00;
	v0 =	vadd.f32 v0, v22;
	v59 =	vadd.f32 v38, v23  }
0xdc: {  	v22 =	vmin.f32 v42, $1.000000000e+00;
	v23 =	vmin.f32 v35, $1.000000000e+00;
	v38 =	vsub.f32 v10, v21  }
0xdd: {  	v35 =	vsub.f32 v11, v53;
	v41 =	vmul.f32 v41, v41;
	v3 =	vadd.f32 v3, v24  }
0xde: {  	v19 =	vadd.f32 v27, v19;
	v39 =	vmul.f32 v39, v39;
	v45 =	vmul.f32 v57, v57  }
0xdf: {  	v49 =	vmul.f32 v49, v49;
	v0 =	vadd.f32 v29, v0;
	v27 =	vadd.f32 v60, v59  }
0xe0: {  	v44 =	vmul.f32 v44, v44;
	v60 =	vsub.f32 v17, v53;
	v59 =	vsub.f32 v13, v56  }
0xe1: {  	v52 =	vmul.f32 v52, v52;
	v24 =	vadd.f32 v61, v3;
	v19 =	vadd.f32 v30, v19  }
0xe2: {  	v61 =	vsub.f32 v16, v54;
	v30 =	vmul.f32 v62, v62;
	v62 =	vsub.f32 v14, v54  }
0xe3: {  	v38 =	vmul.f32 v38, v38;
	v28 =	vadd.f32 v39, v28;
	v41 =	vadd.f32 v44, v41  }
0xe4: {  	v3 =	vperm.xlane v50, v18;
	v18 =	vadd.f32 v31, v0;
	v0 =	vsub.f32 v12, v21  }
0xe5: {  	v21 =	vmin.f32 v63, $1.000000000e+00;
	v63 =	vsub.f32 v14, v51;
	v31 =	vsub.f32 v10, v51  }
0xe6: {  	v51 =	vsub.f32 v15, v56;
	v42 =	vmul.f32 v60, v60;
	v60 =	vsub.f32 v16, v20  }
0xe7: {  	v35 =	vmul.f32 v35, v35;
	v29 =	vsub.f32 v13, v3;
	v33 =	vsub.f32 v17, v3  }
0xe8: {  	v36 =	vsub.f32 v15, v3;
	v3 =	vsub.f32 v11, v3;
	v48 =	vmul.f32 v61, v61  }
0xe9: {  	v61 =	vsub.f32 v14, v20;
	v50 =	vmul.f32 v62, v62;
	v62 =	vsub.f32 v15, v37  }
0xea: {  	v47 =	vmul.f32 v59, v59;
	v20 =	vsub.f32 v10, v20;
	v21 =	vadd.f32 v21, v27  }
0xeb: {  	v24 =	vadd.f32 v32, v24;
	v19 =	vadd.f32 v22, v19;
	v0 =	vmul.f32 v0, v0  }
0xec: {  	v43 =	vmul.f32 v63, v63;
	v63 =	vsub.f32 v13, v37;
	v31 =	vmul.f32 v31, v31  }
0xed: {  	v51 =	vmul.f32 v51, v51;
	v37 =	vsub.f32 v11, v37;
	v29 =	vmul.f32 v29, v29  }
0xee: {  	v59 =	vadd.f32 v47, v46;
	v33 =	vmul.f32 v33, v33;
	v36 =	vmul.f32 v36, v36  }
0xef: {  	v18 =	vadd.f32 v23, v18;
	v3 =	vmul.f32 v3, v3;
	v54 =	vmul.f32 v61, v61  }
0xf0: {  	v58 =	vmul.f32 v62, v62;
	v21 =	vadd.f32 v26, v21;
	v53 =	vmul.f32 v63, v63  }
0xf1: {  	v63 =	vmul.f32 v55, v55;
	v55 =	vadd.f32 v42, v40;
	v56 =	vadd.f32 v45, v43  }
0xf2: {  	v20 =	vmul.f32 v20, v20;
	v31 =	vadd.f32 v35, v31;
	v61 =	vadd.f32 v51, v50  }
0xf3: {  	v37 =	vmul.f32 v37, v37;
	v45 =	vshrl.u32 v28, $0x1;
	v28 =	vmul.f32 $5.000000000e-01, v28  }
0xf4: {  	v50 =	vshrl.u32 v59, $0x1;
	v35 =	vmul.f32 $5.000000000e-01, v59;
	v0 =	vadd.f32 v29, v0  }
0xf5: {  	v29 =	vmul.f32 v60, v60;
	v30 =	vadd.f32 v33, v30;
	v33 =	vadd.f32 v36, v34  }
0xf6: {  	v3 =	vadd.f32 v3, v38;
	v60 =	vadd.f32 v49, v48;
	v45 =	vsub.s32 $0x5F3759DF, v45  }
0xf7: {  	v50 =	vsub.s32 $0x5F3759DF, v50;
	v62 =	vadd.f32 v53, v52;
	v20 =	vadd.f32 v37, v20  }
0xf8: {  	v47 =	vshrl.u32 v55, $0x1;
	v38 =	vmul.f32 $5.000000000e-01, v55;
	v48 =	vshrl.u32 v56, $0x1  }
0xf9: {  	v39 =	vmul.f32 $5.000000000e-01, v56;
	v49 =	vshrl.u32 v31, $0x1;
	v31 =	vmul.f32 $5.000000000e-01, v31  }
0xfa: {  	v43 =	vmul.f32 $5.000000000e-01, v61;
	v53 =	vshrl.u32 v41, $0x1;
	v41 =	vmul.f32 $5.000000000e-01, v41  }
0xfb: {  	v52 =	vshrl.u32 v61, $0x1;
	v28 =	vmul.f32 v45, v28;
	v35 =	vmul.f32 v50, v35  }
0xfc: {  	v29 =	vadd.f32 v63, v29;
	v63 =	vadd.f32 v58, v54;
	v36 =	vshrl.u32 v0, $0x1  }
0xfd: {  	v0 =	vmul.f32 $5.000000000e-01, v0;
	v37 =	vshrl.u32 v30, $0x1;
	v30 =	vmul.f32 $5.000000000e-01, v30  }
0xfe: {  	v40 =	vshrl.u32 v33, $0x1;
	v33 =	vmul.f32 $5.000000000e-01, v33;
	v46 =	vshrl.u32 v3, $0x1  }
0xff: {  	v3 =	vmul.f32 $5.000000000e-01, v3;
	v51 =	vshrl.u32 v60, $0x1;
	v42 =	vmul.f32 $5.000000000e-01, v60  }
0x100: {  	v47 =	vsub.s32 $0x5F3759DF, v47;
	v48 =	vsub.s32 $0x5F3759DF, v48;
	v49 =	vsub.s32 $0x5F3759DF, v49  }
0x101: {  	v52 =	vsub.s32 $0x5F3759DF, v52;
	v53 =	vsub.s32 $0x5F3759DF, v53;
	v60 =	vshrl.u32 v62, $0x1  }
0x102: {  	v44 =	vmul.f32 $5.000000000e-01, v62;
	v36 =	vsub.s32 $0x5F3759DF, v36;
	v37 =	vsub.s32 $0x5F3759DF, v37  }
0x103: {  	v40 =	vsub.s32 $0x5F3759DF, v40;
	v38 =	vmul.f32 v47, v38;
	v39 =	vmul.f32 v48, v39  }
0x104: {  	v46 =	vsub.s32 $0x5F3759DF, v46;
	v31 =	vmul.f32 v49, v31;
	v43 =	vmul.f32 v52, v43  }
0x105: {  	v41 =	vmul.f32 v53, v41;
	v28 =	vmul.f32 v45, v28;
	v61 =	vshrl.u32 v29, $0x1  }
0x106: {  	v29 =	vmul.f32 $5.000000000e-01, v29;
	v62 =	vshrl.u32 v63, $0x1;
	v34 =	vmul.f32 $5.000000000e-01, v63  }
0x107: {  	v63 =	vshrl.u32 v20, $0x1;
	v20 =	vmul.f32 $5.000000000e-01, v20;
	v0 =	vmul.f32 v36, v0  }
0x108: {  	v51 =	vsub.s32 $0x5F3759DF, v51;
	v30 =	vmul.f32 v37, v30;
	v33 =	vmul.f32 v40, v33  }
0x109: {  	v3 =	vmul.f32 v46, v3;
	v54 =	vsub.s32 $0x5F3759DF, v60;
	v42 =	vmul.f32 v51, v42  }
0x10a: {  	v55 =	vsub.s32 $0x5F3759DF, v61;
	v44 =	vmul.f32 v54, v44;
	v59 =	vmul.f32 v47, v38  }
0x10b: {  	v56 =	vsub.s32 $0x5F3759DF, v62;
	v60 =	vmul.f32 v48, v39;
	v61 =	vmul.f32 v50, v35  }
0x10c: {  	v57 =	vsub.s32 $0x5F3759DF, v63;
	v62 =	vmul.f32 v49, v31;
	v29 =	vmul.f32 v55, v29  }
0x10d: {  	v24 =	vadd.f32 v25, v24;
	v27 =	vmul.f32 v56, v34;
	v20 =	vmul.f32 v57, v20  }
0x10e: {  	v28 =	vsub.f32 $1.500000000e+00, v28;
	v0 =	vmul.f32 v36, v0;
	v30 =	vmul.f32 v37, v30  }
0x10f: {  	v38 =	vsub.f32 v16, v8;
	v32 =	vmul.f32 v40, v33;
	v3 =	vmul.f32 v46, v3  }
0x110: {  	v39 =	vsub.f32 v17, v9;
	v63 =	vmul.f32 v51, v42;
	v42 =	vmul.f32 v52, v43  }
0x111: {  	v43 =	vmul.f32 v53, v41;
	v33 =	vsub.f32 $1.500000000e+00, v59;
	v22 =	vsub.f32 $1.500000000e+00, v60  }
0x112: {  	v58 =	vmul.f32 v54, v44;
	v23 =	vsub.f32 $1.500000000e+00, v62;
	v34 =	vsub.f32 $1.500000000e+00, v61  }
0x113: {  	v28 =	vmul.f32 v45, v28;
	v0 =	vsub.f32 $1.500000000e+00, v0;
	v30 =	vsub.f32 $1.500000000e+00, v30  }
0x114: {  	v32 =	vsub.f32 $1.500000000e+00, v32;
	v3 =	vsub.f32 $1.500000000e+00, v3;
	v29 =	vmul.f32 v55, v29  }
0x115: {  	v27 =	vmul.f32 v56, v27;
	v20 =	vmul.f32 v57, v20;
	v26 =	vsub.f32 $1.500000000e+00, v42  }
0x116: {  	v35 =	vsub.f32 $1.500000000e+00, v43;
	v42 =	vmul.f32 v38, v38;
	v43 =	vmul.f32 v39, v39  }
0x117: {  	v31 =	vsub.f32 $1.500000000e+00, v63;
	v33 =	vmul.f32 v47, v33;
	v22 =	vmul.f32 v48, v22  }
0x118: {  	v59 =	vsub.f32 $1.500000000e+00, v58;
	v23 =	vmul.f32 v49, v23;
	v34 =	vmul.f32 v50, v34  }
0x119: {  	v28 =	vmin.f32 v28, $1.000000000e+00;
	v47 =	vsub.f32 v14, v8;
	v0 =	vmul.f32 v36, v0  }
0x11a: {  	v48 =	vsub.f32 v15, v9;
	v30 =	vmul.f32 v37, v30;
	v32 =	vmul.f32 v40, v32  }
0x11b: {  	v3 =	vmul.f32 v46, v3;
	v29 =	vsub.f32 $1.500000000e+00, v29;
	v27 =	vsub.f32 $1.500000000e+00, v27  }
0x11c: {  	v31 =	vmul.f32 v51, v31;
	v26 =	vmul.f32 v52, v26;
	v20 =	vsub.f32 $1.500000000e+00, v20  }
0x11d: {  	v35 =	vmul.f32 v53, v35;
	v37 =	vsub.f32 v13, v9;
	v51 =	vsub.f32 v10, v8  }
0x11e: {  	v52 =	vsub.f32 v11, v9;
	v36 =	vmul.f32 v54, v59;
	v61 =	vmin.f32 v34, $1.000000000e+00  }
0x11f: {  	v22 =	vmin.f32 v22, $1.000000000e+00;
	v23 =	vmin.f32 v23, $1.000000000e+00;
	v60 =	vmul.f32 v55, v29  }
0x120: {  	v27 =	vmul.f32 v56, v27;
	v20 =	vmul.f32 v57, v20;
	v0 =	vmin.f32 v0, $1.000000000e+00  }
0x121: {  	v31 =	vmin.f32 v31, $1.000000000e+00;
	v63 =	vmin.f32 v26, $1.000000000e+00;
	v34 =	vmin.f32 v35, $1.000000000e+00  }
0x122: {  	v35 =	vmin.f32 v33, $1.000000000e+00;
	v41 =	vmul.f32 v37, v37;
	v44 =	vmin.f32 v30, $1.000000000e+00  }
0x123: {  	v46 =	vmin.f32 v32, $1.000000000e+00;
	v62 =	vmin.f32 v36, $1.000000000e+00;
	v36 =	vsub.f32 v12, v8  }
0x124: {  	v25 =	vmin.f32 v60, $1.000000000e+00;
	v27 =	vmin.f32 v27, $1.000000000e+00;
	v19 =	vadd.f32 v62, v19  }
0x125: {  	v20 =	vmin.f32 v20, $1.000000000e+00;
	v18 =	vadd.f32 v25, v18;
	v21 =	vadd.f32 v27, v21  }
0x126: {  	v20 =	vadd.f32 v20, v24;
	v40 =	vmul.f32 v36, v36;
	v19 =	vadd.f32 v61, v19  }
0x127: {  	v3 =	vmin.f32 v3, $1.000000000e+00;
	v18 =	vadd.f32 v31, v18;
	v21 =	vadd.f32 v63, v21  }
0x128: {  	v26 =	vmul.f32 v47, v47;
	v20 =	vadd.f32 v34, v20;
	v45 =	vadd.f32 v41, v40  }
0x129: {  	v27 =	vmul.f32 v51, v51;
	v19 =	vadd.f32 v28, v19;
	v18 =	vadd.f32 v35, v18  }
0x12a: {  	v28 =	vmul.f32 v48, v48;
	v21 =	vadd.f32 v22, v21;
	v20 =	vadd.f32 v23, v20  }
0x12b: {  	v22 =	vadd.f32 v43, v42;
	v25 =	vshrl.u32 v45, $0x1;
	v23 =	vmul.f32 $5.000000000e-01, v45  }
0x12c: {  	v25 =	vsub.s32 $0x5F3759DF, v25;
	v0 =	vadd.f32 v0, v19;
	v26 =	vadd.f32 v28, v26  }
0x12d: {  	v28 =	vmul.f32 v52, v52;
	v49 =	vmul.f32 $5.000000000e-01, v22;
	v22 =	vshrl.u32 v22, $0x1  }
0x12e: {  	v19 =	vmul.f32 v25, v23;
	v18 =	vadd.f32 v44, v18;
	v21 =	vadd.f32 v46, v21  }
0x12f: {  	v3 =	vadd.f32 v3, v20;
	v22 =	vsub.s32 $0x5F3759DF, v22;
	v53 =	vmul.f32 $5.000000000e-01, v26  }
0x130: {  	v26 =	vshrl.u32 v26, $0x1;
	v55 =	vshrl.u32 v0, $0x1;
	v0 =	vmul.f32 $5.000000000e-01, v0  }
0x131: {  	v54 =	vadd.f32 v28, v27;
	v50 =	vmul.f32 v22, v49;
	v19 =	vmul.f32 v25, v19  }
0x132: {  	v26 =	vsub.s32 $0x5F3759DF, v26;
	v57 =	vshrl.u32 v18, $0x1;
	v18 =	vmul.f32 $5.000000000e-01, v18  }
0x133: {  	v58 =	vshrl.u32 v21, $0x1;
	v21 =	vmul.f32 $5.000000000e-01, v21;
	v23 =	vmul.f32 v22, v50  }
0x134: {  	v62 =	vshrl.u32 v3, $0x1;
	v3 =	vmul.f32 $5.000000000e-01, v3;
	v20 =	vmul.f32 v26, v53  }
0x135: {  	v56 =	vmul.f32 $5.000000000e-01, v54;
	v27 =	vsub.s32 $0x5F3759DF, v57;
	v23 =	vsub.f32 $1.500000000e+00, v23  }
0x136: {  	v28 =	vsub.s32 $0x5F3759DF, v58;
	v32 =	vsub.s32 $0x5F3759DF, v62;
	v60 =	vmul.f32 v27, v18  }
0x137: {  	v61 =	vmul.f32 v28, v21;
	v22 =	vmul.f32 v22, v23;
	v23 =	vsub.s32 $0x5F3759DF, v55  }
0x138: {  	v24 =	vshrl.u32 v54, $0x1;
	v30 =	vmul.f32 v27, v60;
	v59 =	vmul.f32 v23, v0  }
0x139: {  	v19 =	vsub.f32 $1.500000000e+00, v19;
	v63 =	vmul.f32 v32, v3;
	v31 =	vmul.f32 v28, v61  }
0x13a: {  	v24 =	vsub.s32 $0x5F3759DF, v24;
	v30 =	vsub.f32 $1.500000000e+00, v30;
	v29 =	vmul.f32 v23, v59  }
0x13b: {  	v20 =	vmul.f32 v26, v20;
	v19 =	vmul.f32 v25, v19;
	v31 =	vsub.f32 $1.500000000e+00, v31  }
0x13c: {  	v25 =	vmul.f32 v24, v56;
	v27 =	vmul.f32 v27, v30;
	v29 =	vsub.f32 $1.500000000e+00, v29  }
0x13d: {  	v33 =	vmul.f32 v32, v63;
	v28 =	vmul.f32 v28, v31  }
0x13e: {  	v18 =	vmul.f32 v27, v18;
	v23 =	vmul.f32 v23, v29  }
0x13f: {  	v25 =	vmul.f32 v24, v25;
	v36 =	vsub.f32 $1.500000000e+00, v33;
	v21 =	vmul.f32 v28, v21  }
0x140: {  	v18 =	vmul.f32 v18, v27;
	v0 =	vmul.f32 v23, v0  }
0x141: {  	v20 =	vsub.f32 $1.500000000e+00, v20;
	v21 =	vmul.f32 v21, v28;
	v29 =	vmul.f32 v32, v36  }
0x142: {  	v19 =	vmin.f32 v19, $1.000000000e+00;
	v18 =	vsub.f32 $1.500000000e+00, v18;
	v0 =	vmul.f32 v0, v23  }
0x143: {  	v20 =	vmul.f32 v26, v20;
	v21 =	vsub.f32 $1.500000000e+00, v21;
	v3 =	vmul.f32 v29, v3  }
0x144: {  	v25 =	vsub.f32 $1.500000000e+00, v25;
	v18 =	vmul.f32 v18, v27;
	v0 =	vsub.f32 $1.500000000e+00, v0  }
0x145: {  	v22 =	vmin.f32 v22, $1.000000000e+00;
	v21 =	vmul.f32 v21, v28;
	v3 =	vmul.f32 v3, v29  }
0x146: {  	v20 =	vmin.f32 v20, $1.000000000e+00;
	v18 =	vmul.f32 v18, v22;
	v0 =	vmul.f32 v0, v23  }
0x147: {  	v37 =	vmul.f32 v24, v25;
	v20 =	vmul.f32 v21, v20;
	v3 =	vsub.f32 $1.500000000e+00, v3  }
0x148: {  	v16 =	vmul.f32 v18, v16;
	v19 =	vmul.f32 v0, v19  }
0x149: {  	v17 =	vmul.f32 v18, v17;
	v3 =	vmul.f32 v3, v29  }
0x14a: {  	v18 =	vmin.f32 v37, $1.000000000e+00;
	v38 =	vmul.f32 v19, v12;
	v39 =	vmul.f32 v19, v13  }
0x14b: {  	v40 =	vmul.f32 v20, v14;
	v3 =	vmul.f32 v3, v18  }
0x14c: {  	v41 =	vmul.f32 v20, v15;
	v12 =	vadd.f32 v16, v38;
	v13 =	vadd.f32 v17, v39  }
0x14d: {  	v42 =	vmul.f32 v3, v10  }
0x14e: {  	v3 =	vmul.f32 v3, v11;
	v12 =	vadd.f32 v40, v12;
	v13 =	vadd.f32 v41, v13;
	_ =	sdelay $0x1  }
0x14f: {  	v10 =	vadd.f32 v42, v12;
	v3 =	vadd.f32 v3, v13;
	_ =	sdelay $0x1  }
0x150: {  	v43 =	vperm.xlane v10, v4;
	v44 =	vperm.xlane v3, v4;
	_ =	sdelay $0x1  }
0x151: {  	v10 =	vadd.f32 v43, v10;
	v3 =	vadd.f32 v44, v3  }
0x152: {  	v45 =	vlaneseq.u32  }
0x153: {  	v13 =	vmul.u32 $0x2, v45;
	v11 =	vperm.xlane v10, v5;
	v12 =	vperm.xlane v3, v5;
	_ =	sdelay $0x1  }
0x154: {  	v46 =	vor.u32 $0x1, v13;
	v10 =	vadd.f32 v11, v10;
	v3 =	vadd.f32 v12, v3;
	_ =	sdelay $0x1  }
0x155: {  	v47 =	vperm.xlane v10, v6;
	v48 =	vperm.xlane v3, v6;
	_ =	sdelay $0x1  }
0x156: {  	v49 =	vld.idx.msk [tilespmem:v13+s10+$0x0], $0xffff;
	v10 =	vadd.f32 v47, v10;
	v3 =	vadd.f32 v48, v3  }
0x157: {  	v50 =	vld.idx.msk [tilespmem:v46+s10+$0x0], $0xffff  }
0x158: {  	v51 =	vperm.xlane v10, v7;
	v16 =	vperm.xlane v3, v7;
	_ =	sdelay $0x1  }
0x159: {  	v10 =	vadd.f32 v51, v10;
	v3 =	vadd.f32 v16, v3;
	_ =	sdelay $0x1  }
0x15a: {  	v52 =	vld.idx.msk [tilespmem:v13+s12+$0x0], $0xffff;
	v12 =	vmul.f32 v49, v10;
	v14 =	vmul.f32 v50, v3  }
0x15b: {  	v19 =	vimm.s32 $0x0;
	v16 =	vld [tilespmem:$0x1100]  }
0x15c: {  	v0 =	vperm.xlane v0, v19;
	v12 =	vadd.f32 v14, v12  }
0x15d: {  	v11 =	vld.idx.msk [tilespmem:v46+s12+$0x0], $0xffff  }
0x15e: {  	v12 =	vmul.f32 v12, v0;
	_ =	sdelay $0x1  }
0x15f: {  	v53 =	vmul.f32 v52, v8;
	v12 =	vadd.f32 v16, v12;
	_ =	sdelay $0x1  }
0x160: {  	v11 =	vmul.f32 v11, v9;
	v12 =	vadd.f32 v12, v53  }
0x161: {  	v54 =	vor.u32 $0x20, v13  }
0x162: {  	v55 =	vor.u32 $0x21, v13;
	v11 =	vadd.f32 v12, v11  }
0x163: {  	s31 =	sshll.u32 s17, $0x7  }
0x164: {  	s18 =	sand.u32 $0x3FFFFF80, s31;
	v11 =	vmax.f32 v11, $0.0e+00  }
0x165: {  	[tilespmem:s18+$0x1180] =	vst v11  }
0x166: {  	v11 =	vld.idx.msk [tilespmem:v54+s10+$0x0], $0xffff  }
0x167: {  	v56 =	vld.idx.msk [tilespmem:v55+s10+$0x0], $0xffff;
	_ =	sdelay $0x4  }
0x168: {  	v14 =	vld.idx.msk [tilespmem:v54+s12+$0x0], $0xffff;
	v11 =	vmul.f32 v11, v10;
	v15 =	vmul.f32 v56, v3  }
0x169: {  	v16 =	vld [tilespmem:$0x1110]  }
0x16a: {  	v11 =	vadd.f32 v15, v11  }
0x16b: {  	v12 =	vld.idx.msk [tilespmem:v55+s12+$0x0], $0xffff  }
0x16c: {  	v11 =	vmul.f32 v11, v0;
	_ =	sdelay $0x1  }
0x16d: {  	v14 =	vmul.f32 v14, v8;
	v11 =	vadd.f32 v16, v11;
	_ =	sdelay $0x1  }
0x16e: {  	v12 =	vmul.f32 v12, v9;
	v11 =	vadd.f32 v11, v14  }
0x16f: {  	v57 =	vor.u32 $0x40, v13  }
0x170: {  	v58 =	vor.u32 $0x41, v13;
	v11 =	vadd.f32 v11, v12;
	_ =	sdelay $0x1  }
0x171: {  	v11 =	vmax.f32 v11, $0.0e+00  }
0x172: {  	[tilespmem:s18+$0x1190] =	vst v11  }
0x173: {  	v11 =	vld.idx.msk [tilespmem:v57+s10+$0x0], $0xffff  }
0x174: {  	v59 =	vld.idx.msk [tilespmem:v58+s10+$0x0], $0xffff;
	_ =	sdelay $0x4  }
0x175: {  	v14 =	vld.idx.msk [tilespmem:v57+s12+$0x0], $0xffff;
	v11 =	vmul.f32 v11, v10;
	v15 =	vmul.f32 v59, v3  }
0x176: {  	v16 =	vld [tilespmem:$0x1120]  }
0x177: {  	v11 =	vadd.f32 v15, v11  }
0x178: {  	v12 =	vld.idx.msk [tilespmem:v58+s12+$0x0], $0xffff  }
0x179: {  	v11 =	vmul.f32 v11, v0;
	_ =	sdelay $0x1  }
0x17a: {  	v14 =	vmul.f32 v14, v8;
	v11 =	vadd.f32 v16, v11;
	_ =	sdelay $0x1  }
0x17b: {  	v12 =	vmul.f32 v12, v9;
	v11 =	vadd.f32 v11, v14  }
0x17c: {  	v60 =	vor.u32 $0x60, v13  }
0x17d: {  	v61 =	vor.u32 $0x61, v13;
	v11 =	vadd.f32 v11, v12;
	_ =	sdelay $0x1  }
0x17e: {  	v11 =	vmax.f32 v11, $0.0e+00  }
0x17f: {  	[tilespmem:s18+$0x11A0] =	vst v11  }
0x180: {  	v11 =	vld.idx.msk [tilespmem:v60+s10+$0x0], $0xffff  }
0x181: {  	v13 =	vld.idx.msk [tilespmem:v61+s10+$0x0], $0xffff;
	_ =	sdelay $0x4  }
0x182: {  	v14 =	vld.idx.msk [tilespmem:v60+s12+$0x0], $0xffff;
	v10 =	vmul.f32 v11, v10;
	v3 =	vmul.f32 v13, v3  }
0x183: {  	v62 =	vld [tilespmem:$0x1130]  }
0x184: {  	v3 =	vadd.f32 v3, v10  }
0x185: {  	v63 =	vld.idx.msk [tilespmem:v61+s12+$0x0], $0xffff  }
0x186: {  	v0 =	vmul.f32 v3, v0;
	_ =	sdelay $0x1  }
0x187: {  	v3 =	vmul.f32 v14, v8;
	v0 =	vadd.f32 v62, v0  }
0x188: {  	s17 =	sadd.s32 $0x1, s17  }
0x189: {  	p0 =	sne.s32 s17, $0x8;
	v0 =	vadd.f32 v0, v3;
	v3 =	vmul.f32 v63, v9  }
.Ltmp1:
0x18a: {  	_ = 	snop;
	(pc) =	sbr.rel @p0 .LBB2_2-.Ltmp1, $3  }
0x18b: {  	v0 =	vadd.f32 v0, v3;
	_ =	sdelay $0x1  }
0x18c: {  	v0 =	vmax.f32 v0, $0.0e+00  }
0x18d: {  	[tilespmem:s18+$0x11B0] =	vst v0  }
0x18e: {  	s16 =	sadd.s32 $0x1, s16  }
0x18f: {  	p0 =	sne.s32 s16, s9  }
.Ltmp2:
0x190: {  	_ = 	snop;
	(pc) =	sbr.rel @p0 .LBB2_1-.Ltmp2, $4  }
0x191: {  	[hbm4b:s8+s4] =	stream.linear.scatter [tilespmem:s15], [sflag:$0x2], $0x400, $0x38;
	[tilespmem:$0x1580] =	vst v63  }
0x192: {  	_ =	swait.ge [sflag:s11], $0x400  }
0x193: {  	[sflag:s11] =	ssyncset.done $0x0  }
0x194: {  	[sflag:s11] =	ssyncadd.s32 $0xFFFFFC00  }
0x195: {  	_ =	sfence.sel $0x180000  }
0x196: {  	[bflag:$0x0] =	sbarrier.arrive $0xFFFF  }
0x197: {  	p0 =	sne.s32 s3, $0x0;
	_ =	strace $0x90000047  }
0x198: {  	s0 =	sadd.s32 @!p0 $0x100000, s5;
	[bflag:$0x2] =	sbarrier.arrive $0xFFFF  }
0x199: {  	[sflag:s0] =	ssyncadd.tile.s32 @!p0 $0x1;
	_ =	shalt  }
.Lfunc_end2:
_tile_overlayer_lowered:
.L_overlay_start_2:
0x19a: {  	(tag) =	ssettag $0x2  }
0x19b: {  	s0 =	rddreg [dreg:$0x0];
	s2 =	stileid.u32  }
0x19c: {  	s1 =	rddreg [dreg:$0x1];
	p0 =	sne.s32 s2, $0x0  }
0x19d: {  	s3 =	rddreg [dreg:$0x2];
	[bflag:$0x3] =	sbarrier.arrive $0xFFFF;
	s2 =	simm.s32 @!p0 $0x1C02  }
0x19e: {  	[timem:s3], [sflag:s2] =	dma.local @!p0 [hbm:s0], s1  }
0x19f: {  	s0 =	simm.s32 @!p0 $0x2  }
0x1a0: {  	_ =	swait.ge @!p0 [sflag:s0], s1  }
0x1a1: {  	s1 =	ssub.s32 @!p0 $0x0, s1;
	[sflag:s0] =	ssyncset.done @!p0 $0x0  }
0x1a2: {  	[sflag:s0] =	ssyncadd.s32 @!p0 s1  }
0x1a3: {  	[bflag:$0x3] =	sbarrier.arrive $0xFFFF  }
0x1a4: {  	_ =	shalt  }

</sc_bundles>
